<compile_context>
chip_gen: v7x
topology: tpu7x:2x2x1
jax: 0.10.2.dev20260603
libtpu: 0.0.44.dev20260713+nightly
codegen_flags: <defaults>
</compile_context>

<pallas_src>
import functools

import jax
import jax.numpy as jnp
from jax import lax
from jax.experimental import pallas as pl
from jax.experimental.pallas import tpu as pltpu
from jax.experimental.pallas import tpu_sc as plsc

NC = 2
NS = 16
NW = NC * NS
CHUNK = 128


def _prop_body(xws, epk3, zrows, out, ebuf, rows_v, sem, acc_sh):
    c = lax.axis_index("c")
    s = lax.axis_index("s")
    npad = acc_sh.shape[0]
    rows_per_tile = npad // NS
    nch = epk3.shape[0] // NW
    base = (c * NS + s) * nch

    pltpu.sync_copy(zrows, acc_sh.at[pl.ds(s * rows_per_tile, rows_per_tile)])
    plsc.subcore_barrier()

    def chunk(k, _):
        pltpu.sync_copy(epk3.at[base + k], ebuf)
        pltpu.async_copy(xws.at[ebuf.at[0]], rows_v, sem).wait()
        pltpu.sync_copy(rows_v, acc_sh.at[ebuf.at[1]], add=True)
        return 0

    lax.fori_loop(0, nch, chunk, 0)
    plsc.subcore_barrier()
    pltpu.sync_copy(acc_sh.at[pl.ds(s * rows_per_tile, rows_per_tile)],
                    out.at[c, pl.ds(s * rows_per_tile, rows_per_tile)])


def _deg_body(dstp, ones, zvec, out, dst_v, ones_v, acc_sh):
    c = lax.axis_index("c")
    s = lax.axis_index("s")
    npad = acc_sh.shape[0]
    per_tile = npad // NS
    ew = dstp.shape[0] // NW
    nch = ew // CHUNK
    base = (c * NS + s) * ew

    pltpu.sync_copy(zvec, acc_sh.at[pl.ds(s * per_tile, per_tile)])
    pltpu.sync_copy(ones, ones_v)
    plsc.subcore_barrier()

    def chunk(k, _):
        off = base + k * CHUNK
        pltpu.sync_copy(dstp.at[pl.ds(off, CHUNK)], dst_v)
        pltpu.sync_copy(ones_v, acc_sh.at[dst_v], add=True)
        return 0

    lax.fori_loop(0, nch, chunk, 0)
    plsc.subcore_barrier()
    pltpu.sync_copy(acc_sh.at[pl.ds(s * per_tile, per_tile)],
                    out.at[c, pl.ds(s * per_tile, per_tile)])


def _mm1_body(x_ref, w_ref, d0_ref, d1_ref, out_ref):
    dis = lax.rsqrt(d0_ref[...] + d1_ref[...] + 1.0)
    xw = jnp.dot(x_ref[...], w_ref[...], preferred_element_type=jnp.float32)
    out_ref[...] = dis * xw


def _mm2_body(p0_ref, p1_ref, xws_ref, b_ref, w_ref, d0_ref, d1_ref, out_ref):
    dis = lax.rsqrt(d0_ref[...] + d1_ref[...] + 1.0)
    xws = xws_ref[...]
    h = dis * (p0_ref[...] + p1_ref[...] + xws) + b_ref[...]
    h = jnp.maximum(h, 0.0)
    hw = jnp.dot(h, w_ref[...], preferred_element_type=jnp.float32)
    out_ref[...] = dis * hw


def _mm3_body(p0_ref, p1_ref, xws_ref, b_ref, w_ref, bc_ref, d0_ref, d1_ref,
              out_ref):
    dis = lax.rsqrt(d0_ref[...] + d1_ref[...] + 1.0)
    h2 = dis * (p0_ref[...] + p1_ref[...] + xws_ref[...]) + b_ref[...]
    out_ref[...] = jnp.dot(h2, w_ref[...],
                           preferred_element_type=jnp.float32) + bc_ref[...]


def kernel(x, edge_index, W1, b1, W2, b2, Wc, bc):
    N, D = x.shape
    H = W1.shape[1]
    C = Wc.shape[1]
    E = edge_index.shape[1]
    npad = ((N + 16 * CHUNK - 1) // (16 * CHUNK)) * (16 * CHUNK)
    epad = ((E + NW * CHUNK - 1) // (NW * CHUNK)) * (NW * CHUNK)

    src = edge_index[0]
    dst = edge_index[1]
    srcp = jnp.concatenate([src, jnp.zeros((epad - E,), jnp.int32)])
    junk = N + (jnp.arange(epad - E, dtype=jnp.int32) % (npad - N))
    dstp = jnp.concatenate([dst, junk])
    srcp2 = srcp.reshape(epad // CHUNK, CHUNK)
    dstp2 = dstp.reshape(epad // CHUNK, CHUNK)
    epk3 = jnp.stack([srcp2, dstp2], axis=1)
    nch = epad // CHUNK // NW

    rows_per_tile = npad // NS
    zrows = jnp.zeros((rows_per_tile, D), jnp.float32)
    zvec = jnp.zeros((rows_per_tile,), jnp.float32)
    ones = jnp.ones((CHUNK,), jnp.float32)

    mesh = plsc.VectorSubcoreMesh(core_axis_name="c", subcore_axis_name="s")

    deg_k = functools.partial(
        pl.kernel,
        out_type=jax.ShapeDtypeStruct((NC, npad), jnp.float32),
        mesh=mesh,
        scratch_types=[
            pltpu.VMEM((CHUNK,), jnp.int32),
            pltpu.VMEM((CHUNK,), jnp.float32),
            pltpu.VMEM_SHARED((npad,), jnp.float32),
        ],
    )(_deg_body)
    degp = deg_k(dstp, ones, zvec)

    prop_k = functools.partial(
        pl.kernel,
        out_type=jax.ShapeDtypeStruct((NC, npad, D), jnp.float32),
        mesh=mesh,
        scratch_types=[
            pltpu.VMEM((2, CHUNK), jnp.int32),
            pltpu.VMEM((CHUNK, D), jnp.float32),
            pltpu.SemaphoreType.DMA,
            pltpu.VMEM_SHARED((npad, D), jnp.float32),
        ],
    )(_prop_body)

    d0 = degp[0, :N].reshape(N, 1)
    d1 = degp[1, :N].reshape(N, 1)

    xws1 = pl.pallas_call(
        _mm1_body,
        out_shape=jax.ShapeDtypeStruct((N, H), jnp.float32),
    )(x, W1, d0, d1)

    P1 = prop_k(xws1, epk3, zrows)

    xws2 = pl.pallas_call(
        _mm2_body,
        out_shape=jax.ShapeDtypeStruct((N, H), jnp.float32),
    )(P1[0, :N], P1[1, :N], xws1, b1.reshape(1, H), W2, d0, d1)

    P2 = prop_k(xws2, epk3, zrows)

    cpad = 128
    Wc_p = jnp.pad(Wc, ((0, 0), (0, cpad - C)))
    bc_p = jnp.pad(bc, (0, cpad - C))
    out_p = pl.pallas_call(
        _mm3_body,
        out_shape=jax.ShapeDtypeStruct((N, cpad), jnp.float32),
    )(P2[0, :N], P2[1, :N], xws2, b2.reshape(1, H), Wc_p,
      bc_p.reshape(1, cpad), d0, d1)

    return out_p[:, :C]

# --- scband reference (transcript-rebuilt; emitter-appended) ---
"""Pipeline reference for scband-vanilla-gcn-25005299597836 (READ-ONLY COPY).

The authoritative reference and input builder live on the scoring server;
editing this copy changes nothing except your own understanding.
"""

import jax, jax.numpy as jnp
import numpy as np

N = 10000
E = 320000
D = 128
H = 128
C = 2


def _gcn_layer(x, src, dst, W, b):
    # PyG-style GCNConv: add self-loops, symmetric normalization, linear-then-propagate
    loop = jnp.arange(N, dtype=src.dtype)
    src = jnp.concatenate([src, loop])
    dst = jnp.concatenate([dst, loop])
    xw = x @ W
    deg = jax.ops.segment_sum(jnp.ones(src.shape[0], dtype=xw.dtype), dst, num_segments=N)
    dis = jnp.where(deg > 0, jax.lax.rsqrt(jnp.maximum(deg, 1e-12)), 0.0)
    norm = dis[src] * dis[dst]
    msgs = xw[src] * norm[:, None]
    out = jax.ops.segment_sum(msgs, dst, num_segments=N)
    return out + b


def setup_inputs(seed: int = 0) -> dict:
    key = jax.random.key(seed)
    ks = jax.random.split(key, 8)
    x = jax.random.normal(ks[0], (N, D), dtype=jnp.float32)
    edge_index = jax.random.randint(ks[1], (2, E), 0, N, dtype=jnp.int32)
    W1 = jax.random.normal(ks[2], (D, H), dtype=jnp.float32) * (1.0 / np.sqrt(D))
    b1 = jnp.zeros((H,), dtype=jnp.float32)
    W2 = jax.random.normal(ks[3], (H, H), dtype=jnp.float32) * (1.0 / np.sqrt(H))
    b2 = jnp.zeros((H,), dtype=jnp.float32)
    Wc = jax.random.normal(ks[4], (H, C), dtype=jnp.float32) * (1.0 / np.sqrt(H))
    bc = jnp.zeros((C,), dtype=jnp.float32)
    return {"x": x, "edge_index": edge_index, "W1": W1, "b1": b1, "W2": W2, "b2": b2, "Wc": Wc, "bc": bc}


def reference(x, edge_index, W1, b1, W2, b2, Wc, bc):
    src = edge_index[0]
    dst = edge_index[1]
    h = _gcn_layer(x, src, dst, W1, b1)
    h = jax.nn.relu(h)
    # dropout is identity in eval mode
    h = _gcn_layer(h, src, dst, W2, b2)
    out = h @ Wc + bc
    return out

if __name__ == "__main__":
    import jax
    _d = setup_inputs()
    print(jax.jit(kernel)(*tuple(_d.values())))

</pallas_src>

<mosaic_0001>
#map = affine_map<(d0, d1) -> (0)>
#map1 = affine_map<(d0, d1) -> (0, 0)>
module attributes {stable_mosaic.version = 14 : i64} {
  func.func @_deg_body(%arg0: i32, %arg1: i32, %arg2: memref<323584xi32, #tpu.memory_space<hbm>>, %arg3: memref<128xf32, #tpu.memory_space<hbm>>, %arg4: memref<640xf32, #tpu.memory_space<hbm>>, %arg5: memref<2x10240xf32, #tpu.memory_space<hbm>>, %arg6: memref<128xi32, #tpu.memory_space<vmem>>, %arg7: memref<128xf32, #tpu.memory_space<vmem>>, %arg8: memref<10240xf32, #tpu.memory_space<vmem_shared>>) attributes {dimension_semantics = [#tpu.dimension_semantics<core_parallel>, #tpu.dimension_semantics<subcore_parallel>], iteration_bounds = array<i64: 2, 16>, scalar_prefetch = 0 : i64, scratch_operands = 3 : i64, tpu.core_type = #tpu.core_type<sc_vector_subcore>, window_params = [{transform_indices = #map}, {transform_indices = #map}, {transform_indices = #map}, {transform_indices = #map1}]} {
    %mul3A = arith.constant 16 : i32
    %mul3A_0 = arith.muli %arg0, %mul3A : i32
    %add3A = arith.addi %mul3A_0, %arg1 : i32
    %mul3A_1 = arith.constant 10112 : i32
    %mul3A_2 = arith.muli %add3A, %mul3A_1 : i32
    %mul3A_3 = arith.constant 640 : i32
    %mul3A_4 = arith.muli %arg1, %mul3A_3 : i32
    "tpu.region"() ({
      %run_scoped3A = tpu.sem_alloc : memref<!tpu.dma_semaphore, #tpu.memory_space<semaphore_mem>>
      %dma_start3A = tpu.memref_slice %arg8[%mul3A_4] : memref<10240xf32, #tpu.memory_space<vmem_shared>> -> memref<640xf32, #tpu.memory_space<vmem_shared>>
      tpu.enqueue_dma source(%arg4 : memref<640xf32, #tpu.memory_space<hbm>>) target(%dma_start3A : memref<640xf32, #tpu.memory_space<vmem_shared>>) target_semaphore(%run_scoped3A : memref<!tpu.dma_semaphore, #tpu.memory_space<semaphore_mem>>)
      %dma_wait3A = tpu.memref_slice %arg8[%mul3A_4] : memref<10240xf32, #tpu.memory_space<vmem_shared>> -> memref<640xf32, #tpu.memory_space<vmem_shared>>
      tpu.wait_dma2 semaphore(%run_scoped3A : memref<!tpu.dma_semaphore, #tpu.memory_space<semaphore_mem>>) src(%arg4 : memref<640xf32, #tpu.memory_space<hbm>>) dst(%dma_wait3A : memref<640xf32, #tpu.memory_space<vmem_shared>>)
      tpu.yield
    }) : () -> ()
    "tpu.region"() ({
      %run_scoped3A = tpu.sem_alloc : memref<!tpu.dma_semaphore, #tpu.memory_space<semaphore_mem>>
      tpu.enqueue_dma source(%arg3 : memref<128xf32, #tpu.memory_space<hbm>>) target(%arg7 : memref<128xf32, #tpu.memory_space<vmem>>) target_semaphore(%run_scoped3A : memref<!tpu.dma_semaphore, #tpu.memory_space<semaphore_mem>>)
      tpu.wait_dma2 semaphore(%run_scoped3A : memref<!tpu.dma_semaphore, #tpu.memory_space<semaphore_mem>>) src(%arg3 : memref<128xf32, #tpu.memory_space<hbm>>) dst(%arg7 : memref<128xf32, #tpu.memory_space<vmem>>)
      tpu.yield
    }) : () -> ()
    %barrier3A = arith.constant 0 : index
    tpu.barrier barrier_id(%barrier3A)
    %scan3A = arith.constant 0 : i32
    %scan3A_5 = arith.constant 0 : i32
    %scan3A_6 = arith.constant 79 : i32
    %scan3A_7 = arith.addi %scan3A_5, %scan3A_6 : i32
    %scan3A_8 = arith.constant 1 : i32
    %scan3A_9 = scf.for %scan3A_16 = %scan3A_5 to %scan3A_7 step %scan3A_8 iter_args(%scan3A_17 = %scan3A) -> (i32)  : i32 {
      %mul3A_18 = arith.constant 128 : i32
      %mul3A_19 = arith.muli %scan3A_16, %mul3A_18 : i32
      %add3A_20 = arith.addi %mul3A_2, %mul3A_19 : i32
      "tpu.region"() ({
        %run_scoped3A = tpu.sem_alloc : memref<!tpu.dma_semaphore, #tpu.memory_space<semaphore_mem>>
        %dma_start3A = tpu.memref_slice %arg2[%add3A_20] : memref<323584xi32, #tpu.memory_space<hbm>> -> memref<128xi32, #tpu.memory_space<hbm>>
        %dma_start3A_22 = tpu.memref_slice %arg2[%add3A_20] : memref<323584xi32, #tpu.memory_space<hbm>> -> memref<128xi32, #tpu.memory_space<hbm>>
        tpu.enqueue_dma source(%dma_start3A_22 : memref<128xi32, #tpu.memory_space<hbm>>) target(%arg6 : memref<128xi32, #tpu.memory_space<vmem>>) target_semaphore(%run_scoped3A : memref<!tpu.dma_semaphore, #tpu.memory_space<semaphore_mem>>)
        %dma_wait3A = tpu.memref_slice %arg2[%add3A_20] : memref<323584xi32, #tpu.memory_space<hbm>> -> memref<128xi32, #tpu.memory_space<hbm>>
        %dma_wait3A_23 = tpu.memref_slice %arg2[%add3A_20] : memref<323584xi32, #tpu.memory_space<hbm>> -> memref<128xi32, #tpu.memory_space<hbm>>
        tpu.wait_dma2 semaphore(%run_scoped3A : memref<!tpu.dma_semaphore, #tpu.memory_space<semaphore_mem>>) src(%dma_wait3A_23 : memref<128xi32, #tpu.memory_space<hbm>>) dst(%arg6 : memref<128xi32, #tpu.memory_space<vmem>>)
        tpu.yield
      }) : () -> ()
      "tpu.region"() ({
        %run_scoped3A = tpu.sem_alloc : memref<!tpu.dma_semaphore, #tpu.memory_space<semaphore_mem>>
        %dma_start3A = arith.constant 0 : i32
        %dma_start3A_22 = tpu.memref_slice %arg8[%dma_start3A] : memref<10240xf32, #tpu.memory_space<vmem_shared>> -> memref<10240xf32, #tpu.memory_space<vmem_shared>>
        tpu.enqueue_indirect_dma source(%arg7 : memref<128xf32, #tpu.memory_space<vmem>>) target(%dma_start3A_22 : memref<10240xf32, #tpu.memory_space<vmem_shared>>) offsets(%arg6 : memref<128xi32, #tpu.memory_space<vmem>>) semaphore(%run_scoped3A : memref<!tpu.dma_semaphore, #tpu.memory_space<semaphore_mem>>) {add = true}
        %dma_wait3A = arith.constant 0 : i32
        %dma_wait3A_23 = tpu.memref_slice %arg8[%dma_wait3A] : memref<10240xf32, #tpu.memory_space<vmem_shared>> -> memref<10240xf32, #tpu.memory_space<vmem_shared>>
        tpu.wait_indirect_dma semaphore(%run_scoped3A : memref<!tpu.dma_semaphore, #tpu.memory_space<semaphore_mem>>) src(%arg7 : memref<128xf32, #tpu.memory_space<vmem>>) dst(%dma_wait3A_23 : memref<10240xf32, #tpu.memory_space<vmem_shared>>)
        tpu.yield
      }) : () -> ()
      %scan3A_21 = arith.constant 0 : i32
      scf.yield %scan3A_21 : i32
    }
    %scan3A_10 = arith.constant 79 : i32
    %barrier3A_11 = arith.constant 0 : index
    tpu.barrier barrier_id(%barrier3A_11)
    %mul3A_12 = arith.constant 640 : i32
    %mul3A_13 = arith.muli %arg1, %mul3A_12 : i32
    %mul3A_14 = arith.constant 640 : i32
    %mul3A_15 = arith.muli %arg1, %mul3A_14 : i32
    "tpu.region"() ({
      %run_scoped3A = tpu.sem_alloc : memref<!tpu.dma_semaphore, #tpu.memory_space<semaphore_mem>>
      %dma_start3A = tpu.memref_slice %arg5[%arg0, %mul3A_15] : memref<2x10240xf32, #tpu.memory_space<hbm>> -> memref<1x640xf32, #tpu.memory_space<hbm>>
      %dma_start3A_16 = tpu.memref_squeeze %dma_start3A : memref<1x640xf32, #tpu.memory_space<hbm>> -> memref<640xf32, #tpu.memory_space<hbm>>
      %dma_start3A_17 = tpu.memref_slice %arg8[%mul3A_13] : memref<10240xf32, #tpu.memory_space<vmem_shared>> -> memref<640xf32, #tpu.memory_space<vmem_shared>>
      tpu.enqueue_dma source(%dma_start3A_17 : memref<640xf32, #tpu.memory_space<vmem_shared>>) target(%dma_start3A_16 : memref<640xf32, #tpu.memory_space<hbm>>) target_semaphore(%run_scoped3A : memref<!tpu.dma_semaphore, #tpu.memory_space<semaphore_mem>>)
      %dma_wait3A = tpu.memref_slice %arg5[%arg0, %mul3A_15] : memref<2x10240xf32, #tpu.memory_space<hbm>> -> memref<1x640xf32, #tpu.memory_space<hbm>>
      %dma_wait3A_18 = tpu.memref_squeeze %dma_wait3A : memref<1x640xf32, #tpu.memory_space<hbm>> -> memref<640xf32, #tpu.memory_space<hbm>>
      %dma_wait3A_19 = tpu.memref_slice %arg8[%mul3A_13] : memref<10240xf32, #tpu.memory_space<vmem_shared>> -> memref<640xf32, #tpu.memory_space<vmem_shared>>
      tpu.wait_dma2 semaphore(%run_scoped3A : memref<!tpu.dma_semaphore, #tpu.memory_space<semaphore_mem>>) src(%dma_wait3A_19 : memref<640xf32, #tpu.memory_space<vmem_shared>>) dst(%dma_wait3A_18 : memref<640xf32, #tpu.memory_space<hbm>>)
      tpu.yield
    }) : () -> ()
    return
  }
}

#map = affine_map<(d0, d1) -> (0, 0)>
#map1 = affine_map<(d0, d1) -> (0, 0, 0)>
module attributes {stable_mosaic.version = 14 : i64} {
  func.func @_prop_body(%arg0: i32, %arg1: i32, %arg2: memref<10000x128xf32, #tpu.memory_space<hbm>>, %arg3: memref<2528x2x128xi32, #tpu.memory_space<hbm>>, %arg4: memref<640x128xf32, #tpu.memory_space<hbm>>, %arg5: memref<2x10240x128xf32, #tpu.memory_space<hbm>>, %arg6: memref<2x128xi32, #tpu.memory_space<vmem>>, %arg7: memref<128x128xf32, #tpu.memory_space<vmem>>, %arg8: memref<!tpu.dma_semaphore, #tpu.memory_space<semaphore_mem>>, %arg9: memref<10240x128xf32, #tpu.memory_space<vmem_shared>>) attributes {dimension_semantics = [#tpu.dimension_semantics<core_parallel>, #tpu.dimension_semantics<subcore_parallel>], iteration_bounds = array<i64: 2, 16>, scalar_prefetch = 0 : i64, scratch_operands = 4 : i64, tpu.core_type = #tpu.core_type<sc_vector_subcore>, window_params = [{transform_indices = #map}, {transform_indices = #map1}, {transform_indices = #map}, {transform_indices = #map1}]} {
    %mul3A = arith.constant 16 : i32
    %mul3A_0 = arith.muli %arg0, %mul3A : i32
    %add3A = arith.addi %mul3A_0, %arg1 : i32
    %mul3A_1 = arith.constant 79 : i32
    %mul3A_2 = arith.muli %add3A, %mul3A_1 : i32
    %mul3A_3 = arith.constant 640 : i32
    %mul3A_4 = arith.muli %arg1, %mul3A_3 : i32
    "tpu.region"() ({
      %run_scoped3A = tpu.sem_alloc : memref<!tpu.dma_semaphore, #tpu.memory_space<semaphore_mem>>
      %dma_start3A = arith.constant 0 : i32
      %dma_start3A_16 = tpu.memref_slice %arg9[%mul3A_4, %dma_start3A] : memref<10240x128xf32, #tpu.memory_space<vmem_shared>> -> memref<640x128xf32, #tpu.memory_space<vmem_shared>>
      tpu.enqueue_dma source(%arg4 : memref<640x128xf32, #tpu.memory_space<hbm>>) target(%dma_start3A_16 : memref<640x128xf32, #tpu.memory_space<vmem_shared>>) target_semaphore(%run_scoped3A : memref<!tpu.dma_semaphore, #tpu.memory_space<semaphore_mem>>)
      %dma_wait3A = arith.constant 0 : i32
      %dma_wait3A_17 = tpu.memref_slice %arg9[%mul3A_4, %dma_wait3A] : memref<10240x128xf32, #tpu.memory_space<vmem_shared>> -> memref<640x128xf32, #tpu.memory_space<vmem_shared>>
      tpu.wait_dma2 semaphore(%run_scoped3A : memref<!tpu.dma_semaphore, #tpu.memory_space<semaphore_mem>>) src(%arg4 : memref<640x128xf32, #tpu.memory_space<hbm>>) dst(%dma_wait3A_17 : memref<640x128xf32, #tpu.memory_space<vmem_shared>>)
      tpu.yield
    }) : () -> ()
    %barrier3A = arith.constant 0 : index
    tpu.barrier barrier_id(%barrier3A)
    %scan3A = arith.constant 0 : i32
    %scan3A_5 = arith.constant 0 : i32
    %scan3A_6 = arith.constant 79 : i32
    %scan3A_7 = arith.addi %scan3A_5, %scan3A_6 : i32
    %scan3A_8 = arith.constant 1 : i32
    %scan3A_9 = scf.for %scan3A_16 = %scan3A_5 to %scan3A_7 step %scan3A_8 iter_args(%scan3A_17 = %scan3A) -> (i32)  : i32 {
      %add3A_18 = arith.addi %mul3A_2, %scan3A_16 : i32
      "tpu.region"() ({
        %run_scoped3A_32 = tpu.sem_alloc : memref<!tpu.dma_semaphore, #tpu.memory_space<semaphore_mem>>
        %dma_start3A_33 = arith.constant 0 : i32
        %dma_start3A_34 = arith.constant 0 : i32
        %dma_start3A_35 = tpu.memref_slice %arg3[%add3A_18, %dma_start3A_33, %dma_start3A_34] : memref<2528x2x128xi32, #tpu.memory_space<hbm>> -> memref<1x2x128xi32, #tpu.memory_space<hbm>>
        %dma_start3A_36 = tpu.memref_squeeze %dma_start3A_35 : memref<1x2x128xi32, #tpu.memory_space<hbm>> -> memref<2x128xi32, #tpu.memory_space<hbm>>
        %dma_start3A_37 = arith.constant 0 : i32
        %dma_start3A_38 = arith.constant 0 : i32
        %dma_start3A_39 = tpu.memref_slice %arg3[%add3A_18, %dma_start3A_37, %dma_start3A_38] : memref<2528x2x128xi32, #tpu.memory_space<hbm>> -> memref<1x2x128xi32, #tpu.memory_space<hbm>>
        %dma_start3A_40 = tpu.memref_squeeze %dma_start3A_39 : memref<1x2x128xi32, #tpu.memory_space<hbm>> -> memref<2x128xi32, #tpu.memory_space<hbm>>
        tpu.enqueue_dma source(%dma_start3A_40 : memref<2x128xi32, #tpu.memory_space<hbm>>) target(%arg6 : memref<2x128xi32, #tpu.memory_space<vmem>>) target_semaphore(%run_scoped3A_32 : memref<!tpu.dma_semaphore, #tpu.memory_space<semaphore_mem>>)
        %dma_wait3A_41 = arith.constant 0 : i32
        %dma_wait3A_42 = arith.constant 0 : i32
        %dma_wait3A_43 = tpu.memref_slice %arg3[%add3A_18, %dma_wait3A_41, %dma_wait3A_42] : memref<2528x2x128xi32, #tpu.memory_space<hbm>> -> memref<1x2x128xi32, #tpu.memory_space<hbm>>
        %dma_wait3A_44 = tpu.memref_squeeze %dma_wait3A_43 : memref<1x2x128xi32, #tpu.memory_space<hbm>> -> memref<2x128xi32, #tpu.memory_space<hbm>>
        %dma_wait3A_45 = arith.constant 0 : i32
        %dma_wait3A_46 = arith.constant 0 : i32
        %dma_wait3A_47 = tpu.memref_slice %arg3[%add3A_18, %dma_wait3A_45, %dma_wait3A_46] : memref<2528x2x128xi32, #tpu.memory_space<hbm>> -> memref<1x2x128xi32, #tpu.memory_space<hbm>>
        %dma_wait3A_48 = tpu.memref_squeeze %dma_wait3A_47 : memref<1x2x128xi32, #tpu.memory_space<hbm>> -> memref<2x128xi32, #tpu.memory_space<hbm>>
        tpu.wait_dma2 semaphore(%run_scoped3A_32 : memref<!tpu.dma_semaphore, #tpu.memory_space<semaphore_mem>>) src(%dma_wait3A_48 : memref<2x128xi32, #tpu.memory_space<hbm>>) dst(%arg6 : memref<2x128xi32, #tpu.memory_space<vmem>>)
        tpu.yield
      }) : () -> ()
      %dma_start3A = arith.constant 0 : i32
      %dma_start3A_19 = arith.constant 0 : i32
      %dma_start3A_20 = tpu.memref_slice %arg6[%dma_start3A, %dma_start3A_19] : memref<2x128xi32, #tpu.memory_space<vmem>> -> memref<1x128xi32, #tpu.memory_space<vmem>>
      %dma_start3A_21 = tpu.memref_squeeze %dma_start3A_20 : memref<1x128xi32, #tpu.memory_space<vmem>> -> memref<128xi32, #tpu.memory_space<vmem>>
      %dma_start3A_22 = arith.constant 0 : i32
      %dma_start3A_23 = arith.constant 0 : i32
      %dma_start3A_24 = tpu.memref_slice %arg2[%dma_start3A_22, %dma_start3A_23] : memref<10000x128xf32, #tpu.memory_space<hbm>> -> memref<10000x128xf32, #tpu.memory_space<hbm>>
      tpu.enqueue_indirect_dma source(%dma_start3A_24 : memref<10000x128xf32, #tpu.memory_space<hbm>>) target(%arg7 : memref<128x128xf32, #tpu.memory_space<vmem>>) offsets(%dma_start3A_21 : memref<128xi32, #tpu.memory_space<vmem>>) semaphore(%arg8 : memref<!tpu.dma_semaphore, #tpu.memory_space<semaphore_mem>>)
      %dma_wait3A = arith.constant 0 : i32
      %dma_wait3A_25 = arith.constant 0 : i32
      %dma_wait3A_26 = tpu.memref_slice %arg6[%dma_wait3A, %dma_wait3A_25] : memref<2x128xi32, #tpu.memory_space<vmem>> -> memref<1x128xi32, #tpu.memory_space<vmem>>
      %dma_wait3A_27 = tpu.memref_squeeze %dma_wait3A_26 : memref<1x128xi32, #tpu.memory_space<vmem>> -> memref<128xi32, #tpu.memory_space<vmem>>
      %dma_wait3A_28 = arith.constant 0 : i32
      %dma_wait3A_29 = arith.constant 0 : i32
      %dma_wait3A_30 = tpu.memref_slice %arg2[%dma_wait3A_28, %dma_wait3A_29] : memref<10000x128xf32, #tpu.memory_space<hbm>> -> memref<10000x128xf32, #tpu.memory_space<hbm>>
      tpu.wait_indirect_dma semaphore(%arg8 : memref<!tpu.dma_semaphore, #tpu.memory_space<semaphore_mem>>) src(%dma_wait3A_30 : memref<10000x128xf32, #tpu.memory_space<hbm>>) dst(%arg7 : memref<128x128xf32, #tpu.memory_space<vmem>>)
      %run_scoped3A = arith.constant 1 : i32
      "tpu.region"() ({
        %run_scoped3A_32 = tpu.sem_alloc : memref<!tpu.dma_semaphore, #tpu.memory_space<semaphore_mem>>
        %dma_start3A_33 = arith.constant 0 : i32
        %dma_start3A_34 = tpu.memref_slice %arg6[%run_scoped3A, %dma_start3A_33] : memref<2x128xi32, #tpu.memory_space<vmem>> -> memref<1x128xi32, #tpu.memory_space<vmem>>
        %dma_start3A_35 = tpu.memref_squeeze %dma_start3A_34 : memref<1x128xi32, #tpu.memory_space<vmem>> -> memref<128xi32, #tpu.memory_space<vmem>>
        %dma_start3A_36 = arith.constant 0 : i32
        %dma_start3A_37 = arith.constant 0 : i32
        %dma_start3A_38 = tpu.memref_slice %arg9[%dma_start3A_36, %dma_start3A_37] : memref<10240x128xf32, #tpu.memory_space<vmem_shared>> -> memref<10240x128xf32, #tpu.memory_space<vmem_shared>>
        tpu.enqueue_indirect_dma source(%arg7 : memref<128x128xf32, #tpu.memory_space<vmem>>) target(%dma_start3A_38 : memref<10240x128xf32, #tpu.memory_space<vmem_shared>>) offsets(%dma_start3A_35 : memref<128xi32, #tpu.memory_space<vmem>>) semaphore(%run_scoped3A_32 : memref<!tpu.dma_semaphore, #tpu.memory_space<semaphore_mem>>) {add = true}
        %dma_wait3A_39 = arith.constant 0 : i32
        %dma_wait3A_40 = tpu.memref_slice %arg6[%run_scoped3A, %dma_wait3A_39] : memref<2x128xi32, #tpu.memory_space<vmem>> -> memref<1x128xi32, #tpu.memory_space<vmem>>
        %dma_wait3A_41 = tpu.memref_squeeze %dma_wait3A_40 : memref<1x128xi32, #tpu.memory_space<vmem>> -> memref<128xi32, #tpu.memory_space<vmem>>
        %dma_wait3A_42 = arith.constant 0 : i32
        %dma_wait3A_43 = arith.constant 0 : i32
        %dma_wait3A_44 = tpu.memref_slice %arg9[%dma_wait3A_42, %dma_wait3A_43] : memref<10240x128xf32, #tpu.memory_space<vmem_shared>> -> memref<10240x128xf32, #tpu.memory_space<vmem_shared>>
        tpu.wait_indirect_dma semaphore(%run_scoped3A_32 : memref<!tpu.dma_semaphore, #tpu.memory_space<semaphore_mem>>) src(%arg7 : memref<128x128xf32, #tpu.memory_space<vmem>>) dst(%dma_wait3A_44 : memref<10240x128xf32, #tpu.memory_space<vmem_shared>>)
        tpu.yield
      }) : () -> ()
      %scan3A_31 = arith.constant 0 : i32
      scf.yield %scan3A_31 : i32
    }
    %scan3A_10 = arith.constant 79 : i32
    %barrier3A_11 = arith.constant 0 : index
    tpu.barrier barrier_id(%barrier3A_11)
    %mul3A_12 = arith.constant 640 : i32
    %mul3A_13 = arith.muli %arg1, %mul3A_12 : i32
    %mul3A_14 = arith.constant 640 : i32
    %mul3A_15 = arith.muli %arg1, %mul3A_14 : i32
    "tpu.region"() ({
      %run_scoped3A = tpu.sem_alloc : memref<!tpu.dma_semaphore, #tpu.memory_space<semaphore_mem>>
      %dma_start3A = arith.constant 0 : i32
      %dma_start3A_16 = tpu.memref_slice %arg5[%arg0, %mul3A_15, %dma_start3A] : memref<2x10240x128xf32, #tpu.memory_space<hbm>> -> memref<1x640x128xf32, #tpu.memory_space<hbm>>
      %dma_start3A_17 = tpu.memref_squeeze %dma_start3A_16 : memref<1x640x128xf32, #tpu.memory_space<hbm>> -> memref<640x128xf32, #tpu.memory_space<hbm>>
      %dma_start3A_18 = arith.constant 0 : i32
      %dma_start3A_19 = tpu.memref_slice %arg9[%mul3A_13, %dma_start3A_18] : memref<10240x128xf32, #tpu.memory_space<vmem_shared>> -> memref<640x128xf32, #tpu.memory_space<vmem_shared>>
      tpu.enqueue_dma source(%dma_start3A_19 : memref<640x128xf32, #tpu.memory_space<vmem_shared>>) target(%dma_start3A_17 : memref<640x128xf32, #tpu.memory_space<hbm>>) target_semaphore(%run_scoped3A : memref<!tpu.dma_semaphore, #tpu.memory_space<semaphore_mem>>)
      %dma_wait3A = arith.constant 0 : i32
      %dma_wait3A_20 = tpu.memref_slice %arg5[%arg0, %mul3A_15, %dma_wait3A] : memref<2x10240x128xf32, #tpu.memory_space<hbm>> -> memref<1x640x128xf32, #tpu.memory_space<hbm>>
      %dma_wait3A_21 = tpu.memref_squeeze %dma_wait3A_20 : memref<1x640x128xf32, #tpu.memory_space<hbm>> -> memref<640x128xf32, #tpu.memory_space<hbm>>
      %dma_wait3A_22 = arith.constant 0 : i32
      %dma_wait3A_23 = tpu.memref_slice %arg9[%mul3A_13, %dma_wait3A_22] : memref<10240x128xf32, #tpu.memory_space<vmem_shared>> -> memref<640x128xf32, #tpu.memory_space<vmem_shared>>
      tpu.wait_dma2 semaphore(%run_scoped3A : memref<!tpu.dma_semaphore, #tpu.memory_space<semaphore_mem>>) src(%dma_wait3A_23 : memref<640x128xf32, #tpu.memory_space<vmem_shared>>) dst(%dma_wait3A_21 : memref<640x128xf32, #tpu.memory_space<hbm>>)
      tpu.yield
    }) : () -> ()
    return
  }
}

#map = affine_map<(d0, d1) -> (0, 0)>
#map1 = affine_map<(d0, d1) -> (0, 0, 0)>
module attributes {stable_mosaic.version = 14 : i64} {
  func.func @_prop_body(%arg0: i32, %arg1: i32, %arg2: memref<10000x128xf32, #tpu.memory_space<hbm>>, %arg3: memref<2528x2x128xi32, #tpu.memory_space<hbm>>, %arg4: memref<640x128xf32, #tpu.memory_space<hbm>>, %arg5: memref<2x10240x128xf32, #tpu.memory_space<hbm>>, %arg6: memref<2x128xi32, #tpu.memory_space<vmem>>, %arg7: memref<128x128xf32, #tpu.memory_space<vmem>>, %arg8: memref<!tpu.dma_semaphore, #tpu.memory_space<semaphore_mem>>, %arg9: memref<10240x128xf32, #tpu.memory_space<vmem_shared>>) attributes {dimension_semantics = [#tpu.dimension_semantics<core_parallel>, #tpu.dimension_semantics<subcore_parallel>], iteration_bounds = array<i64: 2, 16>, scalar_prefetch = 0 : i64, scratch_operands = 4 : i64, tpu.core_type = #tpu.core_type<sc_vector_subcore>, window_params = [{transform_indices = #map}, {transform_indices = #map1}, {transform_indices = #map}, {transform_indices = #map1}]} {
    %mul3A = arith.constant 16 : i32
    %mul3A_0 = arith.muli %arg0, %mul3A : i32
    %add3A = arith.addi %mul3A_0, %arg1 : i32
    %mul3A_1 = arith.constant 79 : i32
    %mul3A_2 = arith.muli %add3A, %mul3A_1 : i32
    %mul3A_3 = arith.constant 640 : i32
    %mul3A_4 = arith.muli %arg1, %mul3A_3 : i32
    "tpu.region"() ({
      %run_scoped3A = tpu.sem_alloc : memref<!tpu.dma_semaphore, #tpu.memory_space<semaphore_mem>>
      %dma_start3A = arith.constant 0 : i32
      %dma_start3A_16 = tpu.memref_slice %arg9[%mul3A_4, %dma_start3A] : memref<10240x128xf32, #tpu.memory_space<vmem_shared>> -> memref<640x128xf32, #tpu.memory_space<vmem_shared>>
      tpu.enqueue_dma source(%arg4 : memref<640x128xf32, #tpu.memory_space<hbm>>) target(%dma_start3A_16 : memref<640x128xf32, #tpu.memory_space<vmem_shared>>) target_semaphore(%run_scoped3A : memref<!tpu.dma_semaphore, #tpu.memory_space<semaphore_mem>>)
      %dma_wait3A = arith.constant 0 : i32
      %dma_wait3A_17 = tpu.memref_slice %arg9[%mul3A_4, %dma_wait3A] : memref<10240x128xf32, #tpu.memory_space<vmem_shared>> -> memref<640x128xf32, #tpu.memory_space<vmem_shared>>
      tpu.wait_dma2 semaphore(%run_scoped3A : memref<!tpu.dma_semaphore, #tpu.memory_space<semaphore_mem>>) src(%arg4 : memref<640x128xf32, #tpu.memory_space<hbm>>) dst(%dma_wait3A_17 : memref<640x128xf32, #tpu.memory_space<vmem_shared>>)
      tpu.yield
    }) : () -> ()
    %barrier3A = arith.constant 0 : index
    tpu.barrier barrier_id(%barrier3A)
    %scan3A = arith.constant 0 : i32
    %scan3A_5 = arith.constant 0 : i32
    %scan3A_6 = arith.constant 79 : i32
    %scan3A_7 = arith.addi %scan3A_5, %scan3A_6 : i32
    %scan3A_8 = arith.constant 1 : i32
    %scan3A_9 = scf.for %scan3A_16 = %scan3A_5 to %scan3A_7 step %scan3A_8 iter_args(%scan3A_17 = %scan3A) -> (i32)  : i32 {
      %add3A_18 = arith.addi %mul3A_2, %scan3A_16 : i32
      "tpu.region"() ({
        %run_scoped3A_32 = tpu.sem_alloc : memref<!tpu.dma_semaphore, #tpu.memory_space<semaphore_mem>>
        %dma_start3A_33 = arith.constant 0 : i32
        %dma_start3A_34 = arith.constant 0 : i32
        %dma_start3A_35 = tpu.memref_slice %arg3[%add3A_18, %dma_start3A_33, %dma_start3A_34] : memref<2528x2x128xi32, #tpu.memory_space<hbm>> -> memref<1x2x128xi32, #tpu.memory_space<hbm>>
        %dma_start3A_36 = tpu.memref_squeeze %dma_start3A_35 : memref<1x2x128xi32, #tpu.memory_space<hbm>> -> memref<2x128xi32, #tpu.memory_space<hbm>>
        %dma_start3A_37 = arith.constant 0 : i32
        %dma_start3A_38 = arith.constant 0 : i32
        %dma_start3A_39 = tpu.memref_slice %arg3[%add3A_18, %dma_start3A_37, %dma_start3A_38] : memref<2528x2x128xi32, #tpu.memory_space<hbm>> -> memref<1x2x128xi32, #tpu.memory_space<hbm>>
        %dma_start3A_40 = tpu.memref_squeeze %dma_start3A_39 : memref<1x2x128xi32, #tpu.memory_space<hbm>> -> memref<2x128xi32, #tpu.memory_space<hbm>>
        tpu.enqueue_dma source(%dma_start3A_40 : memref<2x128xi32, #tpu.memory_space<hbm>>) target(%arg6 : memref<2x128xi32, #tpu.memory_space<vmem>>) target_semaphore(%run_scoped3A_32 : memref<!tpu.dma_semaphore, #tpu.memory_space<semaphore_mem>>)
        %dma_wait3A_41 = arith.constant 0 : i32
        %dma_wait3A_42 = arith.constant 0 : i32
        %dma_wait3A_43 = tpu.memref_slice %arg3[%add3A_18, %dma_wait3A_41, %dma_wait3A_42] : memref<2528x2x128xi32, #tpu.memory_space<hbm>> -> memref<1x2x128xi32, #tpu.memory_space<hbm>>
        %dma_wait3A_44 = tpu.memref_squeeze %dma_wait3A_43 : memref<1x2x128xi32, #tpu.memory_space<hbm>> -> memref<2x128xi32, #tpu.memory_space<hbm>>
        %dma_wait3A_45 = arith.constant 0 : i32
        %dma_wait3A_46 = arith.constant 0 : i32
        %dma_wait3A_47 = tpu.memref_slice %arg3[%add3A_18, %dma_wait3A_45, %dma_wait3A_46] : memref<2528x2x128xi32, #tpu.memory_space<hbm>> -> memref<1x2x128xi32, #tpu.memory_space<hbm>>
        %dma_wait3A_48 = tpu.memref_squeeze %dma_wait3A_47 : memref<1x2x128xi32, #tpu.memory_space<hbm>> -> memref<2x128xi32, #tpu.memory_space<hbm>>
        tpu.wait_dma2 semaphore(%run_scoped3A_32 : memref<!tpu.dma_semaphore, #tpu.memory_space<semaphore_mem>>) src(%dma_wait3A_48 : memref<2x128xi32, #tpu.memory_space<hbm>>) dst(%arg6 : memref<2x128xi32, #tpu.memory_space<vmem>>)
        tpu.yield
      }) : () -> ()
      %dma_start3A = arith.constant 0 : i32
      %dma_start3A_19 = arith.constant 0 : i32
      %dma_start3A_20 = tpu.memref_slice %arg6[%dma_start3A, %dma_start3A_19] : memref<2x128xi32, #tpu.memory_space<vmem>> -> memref<1x128xi32, #tpu.memory_space<vmem>>
      %dma_start3A_21 = tpu.memref_squeeze %dma_start3A_20 : memref<1x128xi32, #tpu.memory_space<vmem>> -> memref<128xi32, #tpu.memory_space<vmem>>
      %dma_start3A_22 = arith.constant 0 : i32
      %dma_start3A_23 = arith.constant 0 : i32
      %dma_start3A_24 = tpu.memref_slice %arg2[%dma_start3A_22, %dma_start3A_23] : memref<10000x128xf32, #tpu.memory_space<hbm>> -> memref<10000x128xf32, #tpu.memory_space<hbm>>
      tpu.enqueue_indirect_dma source(%dma_start3A_24 : memref<10000x128xf32, #tpu.memory_space<hbm>>) target(%arg7 : memref<128x128xf32, #tpu.memory_space<vmem>>) offsets(%dma_start3A_21 : memref<128xi32, #tpu.memory_space<vmem>>) semaphore(%arg8 : memref<!tpu.dma_semaphore, #tpu.memory_space<semaphore_mem>>)
      %dma_wait3A = arith.constant 0 : i32
      %dma_wait3A_25 = arith.constant 0 : i32
      %dma_wait3A_26 = tpu.memref_slice %arg6[%dma_wait3A, %dma_wait3A_25] : memref<2x128xi32, #tpu.memory_space<vmem>> -> memref<1x128xi32, #tpu.memory_space<vmem>>
      %dma_wait3A_27 = tpu.memref_squeeze %dma_wait3A_26 : memref<1x128xi32, #tpu.memory_space<vmem>> -> memref<128xi32, #tpu.memory_space<vmem>>
      %dma_wait3A_28 = arith.constant 0 : i32
      %dma_wait3A_29 = arith.constant 0 : i32
      %dma_wait3A_30 = tpu.memref_slice %arg2[%dma_wait3A_28, %dma_wait3A_29] : memref<10000x128xf32, #tpu.memory_space<hbm>> -> memref<10000x128xf32, #tpu.memory_space<hbm>>
      tpu.wait_indirect_dma semaphore(%arg8 : memref<!tpu.dma_semaphore, #tpu.memory_space<semaphore_mem>>) src(%dma_wait3A_30 : memref<10000x128xf32, #tpu.memory_space<hbm>>) dst(%arg7 : memref<128x128xf32, #tpu.memory_space<vmem>>)
      %run_scoped3A = arith.constant 1 : i32
      "tpu.region"() ({
        %run_scoped3A_32 = tpu.sem_alloc : memref<!tpu.dma_semaphore, #tpu.memory_space<semaphore_mem>>
        %dma_start3A_33 = arith.constant 0 : i32
        %dma_start3A_34 = tpu.memref_slice %arg6[%run_scoped3A, %dma_start3A_33] : memref<2x128xi32, #tpu.memory_space<vmem>> -> memref<1x128xi32, #tpu.memory_space<vmem>>
        %dma_start3A_35 = tpu.memref_squeeze %dma_start3A_34 : memref<1x128xi32, #tpu.memory_space<vmem>> -> memref<128xi32, #tpu.memory_space<vmem>>
        %dma_start3A_36 = arith.constant 0 : i32
        %dma_start3A_37 = arith.constant 0 : i32
        %dma_start3A_38 = tpu.memref_slice %arg9[%dma_start3A_36, %dma_start3A_37] : memref<10240x128xf32, #tpu.memory_space<vmem_shared>> -> memref<10240x128xf32, #tpu.memory_space<vmem_shared>>
        tpu.enqueue_indirect_dma source(%arg7 : memref<128x128xf32, #tpu.memory_space<vmem>>) target(%dma_start3A_38 : memref<10240x128xf32, #tpu.memory_space<vmem_shared>>) offsets(%dma_start3A_35 : memref<128xi32, #tpu.memory_space<vmem>>) semaphore(%run_scoped3A_32 : memref<!tpu.dma_semaphore, #tpu.memory_space<semaphore_mem>>) {add = true}
        %dma_wait3A_39 = arith.constant 0 : i32
        %dma_wait3A_40 = tpu.memref_slice %arg6[%run_scoped3A, %dma_wait3A_39] : memref<2x128xi32, #tpu.memory_space<vmem>> -> memref<1x128xi32, #tpu.memory_space<vmem>>
        %dma_wait3A_41 = tpu.memref_squeeze %dma_wait3A_40 : memref<1x128xi32, #tpu.memory_space<vmem>> -> memref<128xi32, #tpu.memory_space<vmem>>
        %dma_wait3A_42 = arith.constant 0 : i32
        %dma_wait3A_43 = arith.constant 0 : i32
        %dma_wait3A_44 = tpu.memref_slice %arg9[%dma_wait3A_42, %dma_wait3A_43] : memref<10240x128xf32, #tpu.memory_space<vmem_shared>> -> memref<10240x128xf32, #tpu.memory_space<vmem_shared>>
        tpu.wait_indirect_dma semaphore(%run_scoped3A_32 : memref<!tpu.dma_semaphore, #tpu.memory_space<semaphore_mem>>) src(%arg7 : memref<128x128xf32, #tpu.memory_space<vmem>>) dst(%dma_wait3A_44 : memref<10240x128xf32, #tpu.memory_space<vmem_shared>>)
        tpu.yield
      }) : () -> ()
      %scan3A_31 = arith.constant 0 : i32
      scf.yield %scan3A_31 : i32
    }
    %scan3A_10 = arith.constant 79 : i32
    %barrier3A_11 = arith.constant 0 : index
    tpu.barrier barrier_id(%barrier3A_11)
    %mul3A_12 = arith.constant 640 : i32
    %mul3A_13 = arith.muli %arg1, %mul3A_12 : i32
    %mul3A_14 = arith.constant 640 : i32
    %mul3A_15 = arith.muli %arg1, %mul3A_14 : i32
    "tpu.region"() ({
      %run_scoped3A = tpu.sem_alloc : memref<!tpu.dma_semaphore, #tpu.memory_space<semaphore_mem>>
      %dma_start3A = arith.constant 0 : i32
      %dma_start3A_16 = tpu.memref_slice %arg5[%arg0, %mul3A_15, %dma_start3A] : memref<2x10240x128xf32, #tpu.memory_space<hbm>> -> memref<1x640x128xf32, #tpu.memory_space<hbm>>
      %dma_start3A_17 = tpu.memref_squeeze %dma_start3A_16 : memref<1x640x128xf32, #tpu.memory_space<hbm>> -> memref<640x128xf32, #tpu.memory_space<hbm>>
      %dma_start3A_18 = arith.constant 0 : i32
      %dma_start3A_19 = tpu.memref_slice %arg9[%mul3A_13, %dma_start3A_18] : memref<10240x128xf32, #tpu.memory_space<vmem_shared>> -> memref<640x128xf32, #tpu.memory_space<vmem_shared>>
      tpu.enqueue_dma source(%dma_start3A_19 : memref<640x128xf32, #tpu.memory_space<vmem_shared>>) target(%dma_start3A_17 : memref<640x128xf32, #tpu.memory_space<hbm>>) target_semaphore(%run_scoped3A : memref<!tpu.dma_semaphore, #tpu.memory_space<semaphore_mem>>)
      %dma_wait3A = arith.constant 0 : i32
      %dma_wait3A_20 = tpu.memref_slice %arg5[%arg0, %mul3A_15, %dma_wait3A] : memref<2x10240x128xf32, #tpu.memory_space<hbm>> -> memref<1x640x128xf32, #tpu.memory_space<hbm>>
      %dma_wait3A_21 = tpu.memref_squeeze %dma_wait3A_20 : memref<1x640x128xf32, #tpu.memory_space<hbm>> -> memref<640x128xf32, #tpu.memory_space<hbm>>
      %dma_wait3A_22 = arith.constant 0 : i32
      %dma_wait3A_23 = tpu.memref_slice %arg9[%mul3A_13, %dma_wait3A_22] : memref<10240x128xf32, #tpu.memory_space<vmem_shared>> -> memref<640x128xf32, #tpu.memory_space<vmem_shared>>
      tpu.wait_dma2 semaphore(%run_scoped3A : memref<!tpu.dma_semaphore, #tpu.memory_space<semaphore_mem>>) src(%dma_wait3A_23 : memref<640x128xf32, #tpu.memory_space<vmem_shared>>) dst(%dma_wait3A_21 : memref<640x128xf32, #tpu.memory_space<hbm>>)
      tpu.yield
    }) : () -> ()
    return
  }
}

module attributes {stable_mosaic.version = 14 : i64} {
  func.func @_mm1_body(%arg0: memref<10000x128xf32, #tpu.memory_space<vmem>>, %arg1: memref<128x128xf32, #tpu.memory_space<vmem>>, %arg2: memref<10000x1xf32, #tpu.memory_space<vmem>>, %arg3: memref<10000x1xf32, #tpu.memory_space<vmem>>, %arg4: memref<10000x128xf32, #tpu.memory_space<vmem>>) attributes {dimension_semantics = [], scalar_prefetch = 0 : i64, scratch_operands = 0 : i64, tpu.core_type = #tpu.core_type<tc>} {
    %get3A = arith.constant 0 : index
    %get3A_0 = arith.constant 0 : index
    %get3A_1 = vector.load %arg2[%get3A, %get3A_0] : memref<10000x1xf32, #tpu.memory_space<vmem>>, vector<10000x1xf32>
    %get3A_2 = arith.constant 0 : index
    %get3A_3 = arith.constant 0 : index
    %get3A_4 = vector.load %arg3[%get3A_2, %get3A_3] : memref<10000x1xf32, #tpu.memory_space<vmem>>, vector<10000x1xf32>
    %add3A = arith.addf %get3A_1, %get3A_4 : vector<10000x1xf32>
    %add3A_5 = arith.constant 1.000000e+00 : f32
    %add3A_6 = vector.broadcast %add3A_5 : f32 to vector<10000x1xf32>
    %add3A_7 = arith.addf %add3A, %add3A_6 : vector<10000x1xf32>
    %rsqrt3A = math.rsqrt %add3A_7 : vector<10000x1xf32>
    %get3A_8 = arith.constant 0 : index
    %get3A_9 = arith.constant 0 : index
    %get3A_10 = vector.load %arg0[%get3A_8, %get3A_9] : memref<10000x128xf32, #tpu.memory_space<vmem>>, vector<10000x128xf32>
    %get3A_11 = arith.constant 0 : index
    %get3A_12 = arith.constant 0 : index
    %get3A_13 = vector.load %arg1[%get3A_11, %get3A_12] : memref<128x128xf32, #tpu.memory_space<vmem>>, vector<128x128xf32>
    %dot_general3A = arith.constant dense<0.000000e+00> : vector<10000x128xf32>
    %dot_general3A_14 = tpu.matmul %get3A_10, %get3A_13, %dot_general3A {dimension_numbers = #tpu.dot_dimension_numbers<[1], [0], [0], [1], [0, 0, 1, 1], [], []>, transpose_lhs_hint = false} : vector<10000x128xf32>, vector<128x128xf32>, vector<10000x128xf32> -> vector<10000x128xf32>
    %mul3A = vector.broadcast %rsqrt3A : vector<10000x1xf32> to vector<10000x128xf32>
    %mul3A_15 = arith.mulf %mul3A, %dot_general3A_14 : vector<10000x128xf32>
    %swap3A = arith.constant 0 : index
    %swap3A_16 = arith.constant 0 : index
    %swap3A_17 = vector.load %arg4[%swap3A, %swap3A_16] : memref<10000x128xf32, #tpu.memory_space<vmem>>, vector<10000x128xf32>
    tpu.vector_store %arg4[%swap3A, %swap3A_16], %mul3A_15 {strides = array<i32>} : memref<10000x128xf32, #tpu.memory_space<vmem>>, vector<10000x128xf32>,
    return
  }
}

module attributes {stable_mosaic.version = 14 : i64} {
  func.func @_mm2_body(%arg0: memref<10000x128xf32, #tpu.memory_space<vmem>>, %arg1: memref<10000x128xf32, #tpu.memory_space<vmem>>, %arg2: memref<10000x128xf32, #tpu.memory_space<vmem>>, %arg3: memref<1x128xf32, #tpu.memory_space<vmem>>, %arg4: memref<128x128xf32, #tpu.memory_space<vmem>>, %arg5: memref<10000x1xf32, #tpu.memory_space<vmem>>, %arg6: memref<10000x1xf32, #tpu.memory_space<vmem>>, %arg7: memref<10000x128xf32, #tpu.memory_space<vmem>>) attributes {dimension_semantics = [], scalar_prefetch = 0 : i64, scratch_operands = 0 : i64, tpu.core_type = #tpu.core_type<tc>} {
    %get3A = arith.constant 0 : index
    %get3A_0 = arith.constant 0 : index
    %get3A_1 = vector.load %arg5[%get3A, %get3A_0] : memref<10000x1xf32, #tpu.memory_space<vmem>>, vector<10000x1xf32>
    %get3A_2 = arith.constant 0 : index
    %get3A_3 = arith.constant 0 : index
    %get3A_4 = vector.load %arg6[%get3A_2, %get3A_3] : memref<10000x1xf32, #tpu.memory_space<vmem>>, vector<10000x1xf32>
    %add3A = arith.addf %get3A_1, %get3A_4 : vector<10000x1xf32>
    %add3A_5 = arith.constant 1.000000e+00 : f32
    %add3A_6 = vector.broadcast %add3A_5 : f32 to vector<10000x1xf32>
    %add3A_7 = arith.addf %add3A, %add3A_6 : vector<10000x1xf32>
    %rsqrt3A = math.rsqrt %add3A_7 : vector<10000x1xf32>
    %get3A_8 = arith.constant 0 : index
    %get3A_9 = arith.constant 0 : index
    %get3A_10 = vector.load %arg2[%get3A_8, %get3A_9] : memref<10000x128xf32, #tpu.memory_space<vmem>>, vector<10000x128xf32>
    %get3A_11 = arith.constant 0 : index
    %get3A_12 = arith.constant 0 : index
    %get3A_13 = vector.load %arg0[%get3A_11, %get3A_12] : memref<10000x128xf32, #tpu.memory_space<vmem>>, vector<10000x128xf32>
    %get3A_14 = arith.constant 0 : index
    %get3A_15 = arith.constant 0 : index
    %get3A_16 = vector.load %arg1[%get3A_14, %get3A_15] : memref<10000x128xf32, #tpu.memory_space<vmem>>, vector<10000x128xf32>
    %add3A_17 = arith.addf %get3A_13, %get3A_16 : vector<10000x128xf32>
    %add3A_18 = arith.addf %add3A_17, %get3A_10 : vector<10000x128xf32>
    %mul3A = vector.broadcast %rsqrt3A : vector<10000x1xf32> to vector<10000x128xf32>
    %mul3A_19 = arith.mulf %mul3A, %add3A_18 : vector<10000x128xf32>
    %get3A_20 = arith.constant 0 : index
    %get3A_21 = arith.constant 0 : index
    %get3A_22 = vector.load %arg3[%get3A_20, %get3A_21] : memref<1x128xf32, #tpu.memory_space<vmem>>, vector<1x128xf32>
    %add3A_23 = vector.broadcast %get3A_22 : vector<1x128xf32> to vector<10000x128xf32>
    %add3A_24 = arith.addf %mul3A_19, %add3A_23 : vector<10000x128xf32>
    %max3A = arith.constant 0.000000e+00 : f32
    %max3A_25 = vector.broadcast %max3A : f32 to vector<10000x128xf32>
    %max3A_26 = arith.maximumf %add3A_24, %max3A_25 : vector<10000x128xf32>
    %get3A_27 = arith.constant 0 : index
    %get3A_28 = arith.constant 0 : index
    %get3A_29 = vector.load %arg4[%get3A_27, %get3A_28] : memref<128x128xf32, #tpu.memory_space<vmem>>, vector<128x128xf32>
    %dot_general3A = arith.constant dense<0.000000e+00> : vector<10000x128xf32>
    %dot_general3A_30 = tpu.matmul %max3A_26, %get3A_29, %dot_general3A {dimension_numbers = #tpu.dot_dimension_numbers<[1], [0], [0], [1], [0, 0, 1, 1], [], []>, transpose_lhs_hint = false} : vector<10000x128xf32>, vector<128x128xf32>, vector<10000x128xf32> -> vector<10000x128xf32>
    %mul3A_31 = vector.broadcast %rsqrt3A : vector<10000x1xf32> to vector<10000x128xf32>
    %mul3A_32 = arith.mulf %mul3A_31, %dot_general3A_30 : vector<10000x128xf32>
    %swap3A = arith.constant 0 : index
    %swap3A_33 = arith.constant 0 : index
    %swap3A_34 = vector.load %arg7[%swap3A, %swap3A_33] : memref<10000x128xf32, #tpu.memory_space<vmem>>, vector<10000x128xf32>
    tpu.vector_store %arg7[%swap3A, %swap3A_33], %mul3A_32 {strides = array<i32>} : memref<10000x128xf32, #tpu.memory_space<vmem>>, vector<10000x128xf32>,
    return
  }
}

module attributes {stable_mosaic.version = 14 : i64} {
  func.func @_mm3_body(%arg0: memref<10000x128xf32, #tpu.memory_space<vmem>>, %arg1: memref<10000x128xf32, #tpu.memory_space<vmem>>, %arg2: memref<10000x128xf32, #tpu.memory_space<vmem>>, %arg3: memref<1x128xf32, #tpu.memory_space<vmem>>, %arg4: memref<128x128xf32, #tpu.memory_space<vmem>>, %arg5: memref<1x128xf32, #tpu.memory_space<vmem>>, %arg6: memref<10000x1xf32, #tpu.memory_space<vmem>>, %arg7: memref<10000x1xf32, #tpu.memory_space<vmem>>, %arg8: memref<10000x128xf32, #tpu.memory_space<vmem>>) attributes {dimension_semantics = [], scalar_prefetch = 0 : i64, scratch_operands = 0 : i64, tpu.core_type = #tpu.core_type<tc>} {
    %get3A = arith.constant 0 : index
    %get3A_0 = arith.constant 0 : index
    %get3A_1 = vector.load %arg6[%get3A, %get3A_0] : memref<10000x1xf32, #tpu.memory_space<vmem>>, vector<10000x1xf32>
    %get3A_2 = arith.constant 0 : index
    %get3A_3 = arith.constant 0 : index
    %get3A_4 = vector.load %arg7[%get3A_2, %get3A_3] : memref<10000x1xf32, #tpu.memory_space<vmem>>, vector<10000x1xf32>
    %add3A = arith.addf %get3A_1, %get3A_4 : vector<10000x1xf32>
    %add3A_5 = arith.constant 1.000000e+00 : f32
    %add3A_6 = vector.broadcast %add3A_5 : f32 to vector<10000x1xf32>
    %add3A_7 = arith.addf %add3A, %add3A_6 : vector<10000x1xf32>
    %rsqrt3A = math.rsqrt %add3A_7 : vector<10000x1xf32>
    %get3A_8 = arith.constant 0 : index
    %get3A_9 = arith.constant 0 : index
    %get3A_10 = vector.load %arg0[%get3A_8, %get3A_9] : memref<10000x128xf32, #tpu.memory_space<vmem>>, vector<10000x128xf32>
    %get3A_11 = arith.constant 0 : index
    %get3A_12 = arith.constant 0 : index
    %get3A_13 = vector.load %arg1[%get3A_11, %get3A_12] : memref<10000x128xf32, #tpu.memory_space<vmem>>, vector<10000x128xf32>
    %add3A_14 = arith.addf %get3A_10, %get3A_13 : vector<10000x128xf32>
    %get3A_15 = arith.constant 0 : index
    %get3A_16 = arith.constant 0 : index
    %get3A_17 = vector.load %arg2[%get3A_15, %get3A_16] : memref<10000x128xf32, #tpu.memory_space<vmem>>, vector<10000x128xf32>
    %add3A_18 = arith.addf %add3A_14, %get3A_17 : vector<10000x128xf32>
    %mul3A = vector.broadcast %rsqrt3A : vector<10000x1xf32> to vector<10000x128xf32>
    %mul3A_19 = arith.mulf %mul3A, %add3A_18 : vector<10000x128xf32>
    %get3A_20 = arith.constant 0 : index
    %get3A_21 = arith.constant 0 : index
    %get3A_22 = vector.load %arg3[%get3A_20, %get3A_21] : memref<1x128xf32, #tpu.memory_space<vmem>>, vector<1x128xf32>
    %add3A_23 = vector.broadcast %get3A_22 : vector<1x128xf32> to vector<10000x128xf32>
    %add3A_24 = arith.addf %mul3A_19, %add3A_23 : vector<10000x128xf32>
    %get3A_25 = arith.constant 0 : index
    %get3A_26 = arith.constant 0 : index
    %get3A_27 = vector.load %arg4[%get3A_25, %get3A_26] : memref<128x128xf32, #tpu.memory_space<vmem>>, vector<128x128xf32>
    %dot_general3A = arith.constant dense<0.000000e+00> : vector<10000x128xf32>
    %dot_general3A_28 = tpu.matmul %add3A_24, %get3A_27, %dot_general3A {dimension_numbers = #tpu.dot_dimension_numbers<[1], [0], [0], [1], [0, 0, 1, 1], [], []>, transpose_lhs_hint = false} : vector<10000x128xf32>, vector<128x128xf32>, vector<10000x128xf32> -> vector<10000x128xf32>
    %get3A_29 = arith.constant 0 : index
    %get3A_30 = arith.constant 0 : index
    %get3A_31 = vector.load %arg5[%get3A_29, %get3A_30] : memref<1x128xf32, #tpu.memory_space<vmem>>, vector<1x128xf32>
    %add3A_32 = vector.broadcast %get3A_31 : vector<1x128xf32> to vector<10000x128xf32>
    %add3A_33 = arith.addf %dot_general3A_28, %add3A_32 : vector<10000x128xf32>
    %swap3A = arith.constant 0 : index
    %swap3A_34 = arith.constant 0 : index
    %swap3A_35 = vector.load %arg8[%swap3A, %swap3A_34] : memref<10000x128xf32, #tpu.memory_space<vmem>>, vector<10000x128xf32>
    tpu.vector_store %arg8[%swap3A, %swap3A_34], %add3A_33 {strides = array<i32>} : memref<10000x128xf32, #tpu.memory_space<vmem>>, vector<10000x128xf32>,
    return
  }
}

</mosaic_0001>

<sc_bundles>
// kernel: kernel.11.cloned.1.call-start
scs
__scs_entry_jumppad:
0x0: {  	(pc) =	sbr.rel $0x88, $3  }
0x1: {  	(tag) =	ssettag $0x0;
	lr =	simm.s32 $0x1  }
0x2: {  	[smem:$0x3F99] =	sst lr;
	_ =	strace $0xD0000000  }
0x3: {  	_ = 	snop  }
0x4: {  	_ = 	snop  }
0x5: {  	_ = 	snop  }
0x6: {  	_ = 	snop  }
0x7: {  	_ = 	snop  }
__scs_overlays_trampoline_lowered:
0x8: {  	[smem:$0x3FA8] =	sst s0  }
0x9: {  	[smem:$0x3FA9] =	sst s1  }
0xa: {  	[smem:$0x3FAA] =	sst s2  }
0xb: {  	[smem:$0x3FAB] =	sst s3  }
0xc: {  	[smem:$0x3FAC] =	sst s4  }
0xd: {  	[smem:$0x3FAD] =	sst s5  }
0xe: {  	[smem:$0x3FAE] =	sst s6  }
0xf: {  	[smem:$0x3FAF] =	sst s7  }
0x10: {  	[smem:$0x3FB0] =	sst s8  }
0x11: {  	[smem:$0x3FB1] =	sst s9;
	s0 =	simm.s32 @!p0 $0x0  }
0x12: {  	s1 =	sld [smem:$0x3F97];
	s0 =	simm.s32 @p0 $0x1  }
0x13: {  	[smem:$0x3FB2] =	sst s0;
	s0 =	simm.s32 @!p1 $0x0  }
0x14: {  	s2 =	sld [smem:$0x3F96];
	s0 =	simm.s32 @p1 $0x1  }
0x15: {  	[smem:$0x3FB3] =	sst s0;
	s0 =	simm.s32 @!p2 $0x0  }
0x16: {  	s3 =	sld [smem:$0x3FDB];
	s0 =	simm.s32 @p2 $0x1  }
0x17: {  	s4 =	simm.s32 $0x1BF5;
	[smem:$0x3FB5] =	sst s0  }
0x18: {  	s0 =	sld [smem:$0x3F98];
	_ =	swait.ge [sflag:s4], $0x0  }
0x19: {  	s7 =	sld [smem:$0x3F99]  }
0x1a: {  	s8 =	sadd.s32 $0xFFFFE003, lr  }
0x1b: {  	s9 =	sadd.s32 $0xFFFFFEF7, lr;
	s5 =	simm.s32 $0xFFFFFFFF;
	p2 =	slt.u32 s8, $0xFFFFF086  }
0x1c: {  	p1 =	slt.u32 s9, $0xF7A;
	s5 =	simm.s32 @!p2 $0x0  }
0x1d: {  	s5 =	simm.s32 @p1 $0x1;
	p0 =	seq.s32 s7, s2  }
0x1e: {  	s7 =	smul.u32 @!p0 $0xF7A, s2;
	p2 =	seq.s32 @!p0 s5, $0x0  }
0x1f: {  	s9 =	smul.u32 $0xF7A, s1;
	s8 =	simm.s32 @!p0 $0x1BF5;
	p2 =	por !p2, p0  }
0x20: {  	[sflag:s8] =	ssyncset.s32 @!p0 $0xFFFFF086;
	s6 =	sadd.s32 @!p0 s3, s7;
	s7 =	simm.s32 @!p0 $0x108  }
0x21: {  	s3 =	sadd.s32 s3, s9;
	s6 =	sadd.s32 @!p0 $0x88, s6;
	s7 =	simm.s32 @p2 $0x1082  }
0x22: {  	[simem:s7], [sflag:s8] =	dma.local @!p0 [hbm:s6], $0xF7A  }
0x23: {  	s9 =	sor.u32 $0xD0000000, s2;
	s6 =	simm.s32 $0x108;
	_ =	swait.ge @!p0 [sflag:s8], $0x0  }
0x24: {  	s3 =	sadd.s32 $0x88, s3;
	s6 =	simm.s32 @!p1 $0x1082;
	[sflag:s4] =	ssyncset.s32 $0xFFFFF086  }
0x25: {  	[simem:s6], [sflag:s4] =	dma.local [hbm:s3], $0xF7A  }
0x26: {  	[smem:$0x3F99] =	sst s1;
	(tag) =	ssettag s2;
	_ =	strace s9  }
0x27: {  	s1 =	sld [smem:$0x3FA9]  }
0x28: {  	s2 =	sld [smem:$0x3FAA]  }
0x29: {  	s4 =	sld [smem:$0x3FAC]  }
0x2a: {  	p0 =	seq.s32 s5, $0x0;
	s5 =	sld [smem:$0x3FAD]  }
0x2b: {  	s6 =	sld [smem:$0x3FAE]  }
0x2c: {  	s7 =	sld [smem:$0x3FAF]  }
0x2d: {  	s3 =	simm.s32 $0x108;
	s8 =	sld [smem:$0x3FB0]  }
0x2e: {  	s3 =	simm.s32 @!p0 $0x1082;
	s9 =	sld [smem:$0x3FB1]  }
0x2f: {  	lr =	sadd.s32 s0, s3;
	s0 =	sld [smem:$0x3FA8]  }
0x30: {  	s3 =	sld [smem:$0x3FAB]  }
0x31: {  	[smem:$0x3FB4] =	sst s10  }
0x32: {  	s10 =	sld [smem:$0x3FB2];
	_ =	sdelay $0x3  }
0x33: {  	p0 =	seq.s32 s10, $0x1;
	s10 =	sld [smem:$0x3FB4];
	_ =	sdelay $0x3  }
0x34: {  	[smem:$0x3FB4] =	sst s10  }
0x35: {  	s10 =	sld [smem:$0x3FB3];
	_ =	sdelay $0x3  }
0x36: {  	p1 =	seq.s32 s10, $0x1;
	s10 =	sld [smem:$0x3FB4];
	_ =	sdelay $0x3  }
0x37: {  	[smem:$0x3FB4] =	sst s10  }
0x38: {  	s10 =	sld [smem:$0x3FB5]  }
0x39: {  	_ = 	snop;
	(pc) =	sbr.ind lr, $3  }
0x3a: {  	_ = 	snop  }
0x3b: {  	_ = 	snop  }
0x3c: {  	p2 =	seq.s32 s10, $0x1;
	s10 =	sld [smem:$0x3FB4]  }
0x3d: {  	_ =	shalt  }
0x3e: {  	_ =	shalt  }
0x3f: {  	_ =	shalt  }
0x40: {  	_ =	shalt  }
0x41: {  	_ =	shalt  }
0x42: {  	_ =	shalt  }
0x43: {  	_ =	shalt  }
0x44: {  	_ =	shalt  }
0x45: {  	_ =	shalt  }
0x46: {  	_ =	shalt  }
0x47: {  	_ =	shalt  }
0x48: {  	_ =	shalt  }
0x49: {  	_ =	shalt  }
0x4a: {  	_ =	shalt  }
0x4b: {  	_ =	shalt  }
0x4c: {  	_ =	shalt  }
0x4d: {  	_ =	shalt  }
0x4e: {  	_ =	shalt  }
0x4f: {  	_ =	shalt  }
0x50: {  	_ =	shalt  }
0x51: {  	_ =	shalt  }
0x52: {  	_ =	shalt  }
0x53: {  	_ =	shalt  }
0x54: {  	_ =	shalt  }
0x55: {  	_ =	shalt  }
0x56: {  	_ =	shalt  }
0x57: {  	_ =	shalt  }
0x58: {  	_ =	shalt  }
0x59: {  	_ =	shalt  }
0x5a: {  	_ =	shalt  }
0x5b: {  	_ =	shalt  }
0x5c: {  	_ =	shalt  }
0x5d: {  	_ =	shalt  }
0x5e: {  	_ =	shalt  }
0x5f: {  	_ =	shalt  }
0x60: {  	_ =	shalt  }
0x61: {  	_ =	shalt  }
0x62: {  	_ =	shalt  }
0x63: {  	_ =	shalt  }
0x64: {  	_ =	shalt  }
0x65: {  	_ =	shalt  }
0x66: {  	_ =	shalt  }
0x67: {  	_ =	shalt  }
0x68: {  	_ =	shalt  }
0x69: {  	_ =	shalt  }
0x6a: {  	_ =	shalt  }
0x6b: {  	_ =	shalt  }
0x6c: {  	_ =	shalt  }
0x6d: {  	_ =	shalt  }
0x6e: {  	_ =	shalt  }
0x6f: {  	_ =	shalt  }
0x70: {  	_ =	shalt  }
0x71: {  	_ =	shalt  }
0x72: {  	_ =	shalt  }
0x73: {  	_ =	shalt  }
0x74: {  	_ =	shalt  }
0x75: {  	_ =	shalt  }
0x76: {  	_ =	shalt  }
0x77: {  	_ =	shalt  }
0x78: {  	_ =	shalt  }
0x79: {  	_ =	shalt  }
0x7a: {  	_ =	shalt  }
0x7b: {  	_ =	shalt  }
0x7c: {  	_ =	shalt  }
0x7d: {  	_ =	shalt  }
0x7e: {  	_ =	shalt  }
0x7f: {  	_ =	shalt  }
0x80: {  	_ =	shalt  }
0x81: {  	_ =	shalt  }
0x82: {  	_ =	shalt  }
0x83: {  	_ =	shalt  }
0x84: {  	_ =	shalt  }
0x85: {  	_ =	shalt  }
0x86: {  	_ =	shalt  }
0x87: {  	_ =	shalt  }
.Lfunc_end0:
.L_simem_size_0:
called_computation.1_lowered:
.L_overlay_start_0:
0x88: {  	s2 =	sld [smem:$0x3FD9]  }
0x89: {  	s3 =	sld [smem:$0x3FFE];
	_ =	sdelay $0x1  }
0x8a: {  	s1 =	srdreg.scid  }
0x8b: {  	s0 =	sand.u32 $0x1, s1  }
0x8c: {  	s16 =	sshll.u32 s0, $0xA;
	s2 =	sadd.s32 s3, s2  }
0x8d: {  	s2 =	sadd.s32 s2, s16  }
0x8e: {  	[smem:$0x3FC0] =	sst s2  }
0x8f: {  	_ = 	snop  }
0x90: {  	(tm) =	ssettm $0x1  }
0x91: {  	s17 =	sld [smem:$0x3FFB];
	_ =	sdelay $0x3  }
0x92: {  	_ =	strace s17  }
0x93: {  	s2 =	sld [smem:$0x3FFC];
	_ =	sdelay $0x3  }
0x94: {  	_ =	strace s2  }
0x95: {  	s2 =	sld [smem:$0x3FFD];
	_ =	sdelay $0x3  }
0x96: {  	_ =	strace s2  }
0x97: {  	_ =	strace $0x8FFFFFFF  }
0x98: {  	s18 =	sld [smem:$0x3FDB];
	_ =	sdelay $0x1  }
0x99: {  	s19 =	simm.s32 $_scs_section_size  }
0x9a: {  	s4 =	simm.s32 $_size__tile_overlayer_lowered;
	s5 =	simm.s32 $_tile_overlayer_lowered  }
0x9b: {  	s22 =	simm.s32 $0x1BFF;
	s21 =	sshll.u32 s5, $0x1;
	s2 =	sadd.s32 s19, s18  }
0x9c: {  	s6 =	simm.s32 $0x0;
	s20 =	sshll.u32 s4, $0x1;
	s4 =	sadd.s32 s21, s2  }
0x9d: {  	[timem:s6], [sflag:s22] =	dma.local [hbm:s4], s20  }
0x9e: {  	_ =	swait.ge [sflag:s22], s20  }
0x9f: {  	s3 =	ssub.s32 $0x0, s20;
	[sflag:s22] =	ssyncset.done $0x0  }
0xa0: {  	[sflag:s22] =	ssyncadd.s32 s3;
	_ =	sdelay $0x1  }
0xa1: {  	s23 =	simm.s32 $0x1B8B  }
0xa2: {  	_ =	swait.ge [sflag:s23], $0x1  }
0xa3: {  	[sflag:s23] =	ssyncset.done $0x0  }
0xa4: {  	s25 =	simm.s32 $0x1B8E;
	s24 =	sld [smem:$0x3FFE];
	[sflag:s23] =	ssyncadd.s32 $0xFFFFFFFF  }
0xa5: {  	s26 =	simm.s32 $execute0_lowered;
	[smem:$0x3FD2] =	sst s25  }
0xa6: {  	s4 =	sshll.u32 s26, $0x1;
	_ =	strace $0x80000049;
	[dreg:$0x1] =	wrdreg $0xFFFFFFFF  }
0xa7: {  	s28 =	simm.s32 $_size_execute0_lowered;
	s2 =	sadd.s32 s2, s4;
	[dreg:$0x0] =	wrdreg $0x0  }
0xa8: {  	s4 =	sshll.u32 s28, $0x1;
	[dreg:$0x2] =	wrdreg s2  }
0xa9: {  	[dreg:$0x3] =	wrdreg s4  }
0xaa: {  	[dreg:$0x4] =	wrdreg $0xC0  }
0xab: {  	_ =	task [dreg:s6], $0x5FFFF  }
0xac: {  	[dreg:$0x1] =	wrdreg $0xFFFFFFFF  }
0xad: {  	[dreg:$0x0] =	wrdreg $0x60  }
0xae: {  	[dreg:$0x2] =	wrdreg s24  }
0xaf: {  	[dreg:$0x3] =	wrdreg $0x41000  }
0xb0: {  	[dreg:$0x4] =	wrdreg $0x9  }
0xb1: {  	_ =	task.clear_ibuf [dreg:s6], $0x5FFFF;
	_ =	strace $0x90000049  }
0xb2: {  	s29 =	simm.s32 $0x9;
	_ =	strace $0x8000004B  }
0xb3: {  	_ =	swait.ge [sflag:s29], $0x1  }
0xb4: {  	[sflag:s29] =	ssyncadd.s32 $0xFFFFFFFF  }
0xb5: {  	_ =	strace $0x9000004B  }
0xb6: {  	_ =	sfence  }
0xb7: {  	s30 =	sld [smem:$0x0];
	_ =	sdelay $0x2  }
0xb8: {  	s31 =	sshll.u32 s1, $0xD;
	s1 =	sshrl.u32 s1, $0x2  }
0xb9: {  	s3 =	sand.u32 $0x4000, s31;
	s1 =	sadd.s32 s1, s30  }
0xba: {  	s0 =	sor.u32 s3, s0;
	s1 =	sshll.u32 s1, $0x11  }
0xbb: {  	s0 =	sor.u32 s1, s0  }
0xbc: {  	s0 =	sadd.s32 $0x8F2B, s0  }
0xbd: {  	[sflag:s0] =	ssyncadd.remote.s32 $0x1  }
0xbe: {  	_ =	sfence.sel $0xFFFF  }
0xbf: {  	[dreg:$0x0] =	wrdreg $0xFFFFFFFF;
	(pc) =	sbr.abs _section_cstart, $3  }
0xc0: {  	[dreg:$0x1] =	wrdreg $0xFFFFFFFF  }
0xc1: {  	_ =	task.clear_ibuf [dreg:s6], $0x2FFFF;
	_ =	strace $0x9FFFFFFF  }
0xc2: {  	(tm) =	ssettm $0x7FFFFFFF  }
0xc3: {  	_ =	shalt  }
tec
execute0_lowered:
.L_overlay_start_1:
0x0: {  	(tag) =	ssettag $0x1  }
0x1: {  	s6 =	rddreg [dreg:$0x0];
	s0 =	srdreg.scid  }
0x2: {  	s1 =	rddreg [dreg:$0x1];
	s2 =	stileid.u32  }
0x3: {  	s3 =	simm.s32 $0x0;
	s14 =	simm.s32 $0x1;
	s9 =	smul.u32 $0x14000, s2  }
0x4: {  	s7 =	sand.u32 $0x1, s0;
	s0 =	rddreg [dreg:$0x2];
	s26 =	smul.u32 $0x50000, s2  }
0x5: {  	s15 =	simm.s32 $0x0;
	[smem:$0x7FF] =	sst s3;
	s11 =	smul.u32 $0x9E0, s2  }
0x6: {  	s4 =	sadd.s32 $0x70200, s6;
	s30 =	sshll.u32 s2, $0x6;
	s5 =	smul.u32 $0x9E00, s7  }
0x7: {  	s8 =	smul.u32 $0x140000, s7;
	_ =	strace $0x8000004A;
	s7 =	ssub.s32 $0x2, s7  }
0x8: {  	s28 =	sshrl.u32 s7, $0x1;
	s29 =	sshrl.u32 s26, $0x2;
	s10 =	sadd.s32 s5, s6  }
0x9: {  	s5 =	sadd.s32 $0x3800, s6;
	s8 =	sadd.s32 s9, s8;
	s12 =	ssub.s32 s7, s28  }
0xa: {  	s13 =	sadd.s32 s29, s1;
	s8 =	sshrl.u32 s8, $0x3;
	s31 =	sadd.s32 s11, s10  }
0xb: {  	s10 =	sshrl.u32 s13, $0x3;
	s11 =	simm.s32 $0x2;
	s13 =	simm.s32 $0x100  }
0xc: {  	s8 =	sadd.s32 s8, s6;
	s6 =	sor.u32 $0x1C02, s30;
	s9 =	sadd.s32 $0xE200, s31  }
0xd: {  	s7 =	sadd.s32 $0x97400, s8;
	s8 =	smax.u32 s12, $0x1;
	s12 =	simm.s32 $0x80  }
.LBB2_1:
0xe: {  	[spmem:s10], [sflag:s6] =	dma.local [hbm:s5], $0x2800  }
0xf: {  	_ =	swait.ge [sflag:s11], $0x2800  }
0x10: {  	[sflag:s11] =	ssyncset.done $0x0  }
0x11: {  	[sflag:s11] =	ssyncadd.s32 $0xFFFFD800  }
0x12: {  	s16 =	sadd.s32 $0x0, s9;
	[bflag:$0x0] =	sbarrier.arrive $0xFFFF  }
0x13: {  	[tilespmem:s3], [sflag:$0x2] =	stream.linear.gather [hbm4b:s16+s3], $0x100, $0x38;
	[tilespmem:$0x18100] =	vst v63  }
0x14: {  	_ =	swait.ge [sflag:s11], $0x100  }
0x15: {  	[sflag:s11] =	ssyncset.done $0x0  }
0x16: {  	[sflag:s11] =	ssyncadd.s32 $0xFFFFFF00  }
0x17: {  	[tilespmem:s13], [sflag:$0x1] =	stream.indirect.gather [hbm4b:s4+s12], $0x80, s3, s12, $0xb8;
	[tilespmem:$0x18100] =	vst v63  }
0x18: {  	_ =	swait.ge [sflag:s14], $0x4000  }
0x19: {  	[sflag:s14] =	ssyncset.done $0x0  }
0x1a: {  	[sflag:s14] =	ssyncadd.s32 $0xFFFFC000  }
0x1b: {  	[spmem:s1] =	stream.indirect.scatter.add.f32 [tilespmem:s13], [sflag:$0x2], $0x80, s12, s12, $0xb8;
	[tilespmem:$0x18100] =	vst v63  }
0x1c: {  	_ =	swait.ge [sflag:s11], $0x4000  }
0x1d: {  	s17 =	simm.s32 $0x40;
	s16 =	simm.s32 $0x20;
	[sflag:s11] =	ssyncset.done $0x0  }
.LBB2_2:
0x1e: {  	s18 =	sadd.s32 s16, s9  }
0x1f: {  	[sflag:s11] =	ssyncadd.s32 $0xFFFFC000;
	s16 =	smov.u32 s17;
	s19 =	sadd.s32 $0x20, s17  }
0x20: {  	[tilespmem:s3], [sflag:$0x2] =	stream.linear.gather [hbm4b:s18+s3], $0x100, $0x38;
	[tilespmem:$0x18100] =	vst v63  }
0x21: {  	p0 =	sne.s32 s17, $0x9C0;
	_ =	swait.ge [sflag:s11], $0x100  }
0x22: {  	[sflag:s11] =	ssyncset.done $0x0  }
0x23: {  	[sflag:s11] =	ssyncadd.s32 $0xFFFFFF00  }
0x24: {  	[tilespmem:s13], [sflag:$0x1] =	stream.indirect.gather [hbm4b:s4+s12], $0x80, s3, s12, $0xb8;
	[tilespmem:$0x18100] =	vst v63  }
0x25: {  	_ =	swait.ge [sflag:s14], $0x4000  }
.Ltmp0:
0x26: {  	[sflag:s14] =	ssyncset.done $0x0;
	(pc) =	sbr.rel @p0 .LBB2_2-.Ltmp0, $4  }
0x27: {  	[sflag:s14] =	ssyncadd.s32 $0xFFFFC000  }
0x28: {  	[spmem:s1] =	stream.indirect.scatter.add.f32 [tilespmem:s13], [sflag:$0x2], $0x80, s12, s12, $0xb8;
	[tilespmem:$0x18100] =	vst v63  }
0x29: {  	_ =	swait.ge [sflag:s11], $0x4000  }
0x2a: {  	s17 =	smov.u32 s19;
	[sflag:s11] =	ssyncset.done $0x0  }
0x2b: {  	s16 =	sadd.s32 s16, s9;
	[sflag:s11] =	ssyncadd.s32 $0xFFFFC000  }
0x2c: {  	[tilespmem:s3], [sflag:$0x2] =	stream.linear.gather [hbm4b:s16+s3], $0x100, $0x38;
	[tilespmem:$0x18100] =	vst v63  }
0x2d: {  	_ =	swait.ge [sflag:s11], $0x100  }
0x2e: {  	[sflag:s11] =	ssyncset.done $0x0  }
0x2f: {  	[sflag:s11] =	ssyncadd.s32 $0xFFFFFF00  }
0x30: {  	[tilespmem:s13], [sflag:$0x1] =	stream.indirect.gather [hbm4b:s4+s12], $0x80, s3, s12, $0xb8;
	[tilespmem:$0x18100] =	vst v63  }
0x31: {  	_ =	swait.ge [sflag:s14], $0x4000  }
0x32: {  	[sflag:s14] =	ssyncset.done $0x0  }
0x33: {  	[sflag:s14] =	ssyncadd.s32 $0xFFFFC000  }
0x34: {  	[spmem:s1] =	stream.indirect.scatter.add.f32 [tilespmem:s13], [sflag:$0x2], $0x80, s12, s12, $0xb8;
	[tilespmem:$0x18100] =	vst v63  }
0x35: {  	_ =	swait.ge [sflag:s11], $0x4000  }
0x36: {  	s15 =	sadd.s32 $0x1, s15;
	[sflag:s11] =	ssyncset.done $0x0  }
0x37: {  	p0 =	sne.s32 s15, s8;
	[sflag:s11] =	ssyncadd.s32 $0xFFFFC000  }
.Ltmp1:
0x38: {  	[bflag:$0x0] =	sbarrier.arrive $0xFFFF;
	(pc) =	sbr.rel @p0 .LBB2_1-.Ltmp1, $4  }
0x39: {  	[hbm:s7], [sflag:s6] =	dma.local [spmem:s10], $0x2800  }
0x3a: {  	_ =	swait.ge [sflag:s11], $0x2800  }
0x3b: {  	[sflag:s11] =	ssyncset.done $0x0  }
0x3c: {  	[sflag:s11] =	ssyncadd.s32 $0xFFFFD800  }
0x3d: {  	_ =	sfence.sel $0x180000  }
0x3e: {  	[bflag:$0x0] =	sbarrier.arrive $0xFFFF  }
0x3f: {  	p0 =	sne.s32 s2, $0x0;
	_ =	strace $0x9000004A  }
0x40: {  	s0 =	sadd.s32 @!p0 $0x100000, s0;
	[bflag:$0x2] =	sbarrier.arrive $0xFFFF  }
0x41: {  	[sflag:s0] =	ssyncadd.tile.s32 @!p0 $0x1;
	_ =	shalt  }
.Lfunc_end2:
_tile_overlayer_lowered:
.L_overlay_start_2:
0x42: {  	(tag) =	ssettag $0x2  }
0x43: {  	s0 =	rddreg [dreg:$0x0];
	s2 =	stileid.u32  }
0x44: {  	s1 =	rddreg [dreg:$0x1];
	p0 =	sne.s32 s2, $0x0  }
0x45: {  	s3 =	rddreg [dreg:$0x2];
	[bflag:$0x3] =	sbarrier.arrive $0xFFFF;
	s2 =	simm.s32 @!p0 $0x1C02  }
0x46: {  	[timem:s3], [sflag:s2] =	dma.local @!p0 [hbm:s0], s1  }
0x47: {  	s0 =	simm.s32 @!p0 $0x2  }
0x48: {  	_ =	swait.ge @!p0 [sflag:s0], s1  }
0x49: {  	s1 =	ssub.s32 @!p0 $0x0, s1;
	[sflag:s0] =	ssyncset.done @!p0 $0x0  }
0x4a: {  	[sflag:s0] =	ssyncadd.s32 @!p0 s1  }
0x4b: {  	[bflag:$0x3] =	sbarrier.arrive $0xFFFF  }
0x4c: {  	_ =	shalt  }

// kernel: kernel.14.cloned.1.call-start
scs
__scs_entry_jumppad:
0x0: {  	(pc) =	sbr.rel $0x88, $3  }
0x1: {  	(tag) =	ssettag $0x0;
	lr =	simm.s32 $0x1  }
0x2: {  	[smem:$0x3F99] =	sst lr;
	_ =	strace $0xD0000000  }
0x3: {  	_ = 	snop  }
0x4: {  	_ = 	snop  }
0x5: {  	_ = 	snop  }
0x6: {  	_ = 	snop  }
0x7: {  	_ = 	snop  }
__scs_overlays_trampoline_lowered:
0x8: {  	[smem:$0x3FA8] =	sst s0  }
0x9: {  	[smem:$0x3FA9] =	sst s1  }
0xa: {  	[smem:$0x3FAA] =	sst s2  }
0xb: {  	[smem:$0x3FAB] =	sst s3  }
0xc: {  	[smem:$0x3FAC] =	sst s4  }
0xd: {  	[smem:$0x3FAD] =	sst s5  }
0xe: {  	[smem:$0x3FAE] =	sst s6  }
0xf: {  	[smem:$0x3FAF] =	sst s7  }
0x10: {  	[smem:$0x3FB0] =	sst s8  }
0x11: {  	[smem:$0x3FB1] =	sst s9;
	s0 =	simm.s32 @!p0 $0x0  }
0x12: {  	s1 =	sld [smem:$0x3F97];
	s0 =	simm.s32 @p0 $0x1  }
0x13: {  	[smem:$0x3FB2] =	sst s0;
	s0 =	simm.s32 @!p1 $0x0  }
0x14: {  	s2 =	sld [smem:$0x3F96];
	s0 =	simm.s32 @p1 $0x1  }
0x15: {  	[smem:$0x3FB3] =	sst s0;
	s0 =	simm.s32 @!p2 $0x0  }
0x16: {  	s3 =	sld [smem:$0x3FDB];
	s0 =	simm.s32 @p2 $0x1  }
0x17: {  	s4 =	simm.s32 $0x1BF5;
	[smem:$0x3FB5] =	sst s0  }
0x18: {  	s0 =	sld [smem:$0x3F98];
	_ =	swait.ge [sflag:s4], $0x0  }
0x19: {  	s7 =	sld [smem:$0x3F99]  }
0x1a: {  	s8 =	sadd.s32 $0xFFFFE003, lr  }
0x1b: {  	s9 =	sadd.s32 $0xFFFFFEF7, lr;
	s5 =	simm.s32 $0xFFFFFFFF;
	p2 =	slt.u32 s8, $0xFFFFF086  }
0x1c: {  	p1 =	slt.u32 s9, $0xF7A;
	s5 =	simm.s32 @!p2 $0x0  }
0x1d: {  	s5 =	simm.s32 @p1 $0x1;
	p0 =	seq.s32 s7, s2  }
0x1e: {  	s7 =	smul.u32 @!p0 $0xF7A, s2;
	p2 =	seq.s32 @!p0 s5, $0x0  }
0x1f: {  	s9 =	smul.u32 $0xF7A, s1;
	s8 =	simm.s32 @!p0 $0x1BF5;
	p2 =	por !p2, p0  }
0x20: {  	[sflag:s8] =	ssyncset.s32 @!p0 $0xFFFFF086;
	s6 =	sadd.s32 @!p0 s3, s7;
	s7 =	simm.s32 @!p0 $0x108  }
0x21: {  	s3 =	sadd.s32 s3, s9;
	s6 =	sadd.s32 @!p0 $0x88, s6;
	s7 =	simm.s32 @p2 $0x1082  }
0x22: {  	[simem:s7], [sflag:s8] =	dma.local @!p0 [hbm:s6], $0xF7A  }
0x23: {  	s9 =	sor.u32 $0xD0000000, s2;
	s6 =	simm.s32 $0x108;
	_ =	swait.ge @!p0 [sflag:s8], $0x0  }
0x24: {  	s3 =	sadd.s32 $0x88, s3;
	s6 =	simm.s32 @!p1 $0x1082;
	[sflag:s4] =	ssyncset.s32 $0xFFFFF086  }
0x25: {  	[simem:s6], [sflag:s4] =	dma.local [hbm:s3], $0xF7A  }
0x26: {  	[smem:$0x3F99] =	sst s1;
	(tag) =	ssettag s2;
	_ =	strace s9  }
0x27: {  	s1 =	sld [smem:$0x3FA9]  }
0x28: {  	s2 =	sld [smem:$0x3FAA]  }
0x29: {  	s4 =	sld [smem:$0x3FAC]  }
0x2a: {  	p0 =	seq.s32 s5, $0x0;
	s5 =	sld [smem:$0x3FAD]  }
0x2b: {  	s6 =	sld [smem:$0x3FAE]  }
0x2c: {  	s7 =	sld [smem:$0x3FAF]  }
0x2d: {  	s3 =	simm.s32 $0x108;
	s8 =	sld [smem:$0x3FB0]  }
0x2e: {  	s3 =	simm.s32 @!p0 $0x1082;
	s9 =	sld [smem:$0x3FB1]  }
0x2f: {  	lr =	sadd.s32 s0, s3;
	s0 =	sld [smem:$0x3FA8]  }
0x30: {  	s3 =	sld [smem:$0x3FAB]  }
0x31: {  	[smem:$0x3FB4] =	sst s10  }
0x32: {  	s10 =	sld [smem:$0x3FB2];
	_ =	sdelay $0x3  }
0x33: {  	p0 =	seq.s32 s10, $0x1;
	s10 =	sld [smem:$0x3FB4];
	_ =	sdelay $0x3  }
0x34: {  	[smem:$0x3FB4] =	sst s10  }
0x35: {  	s10 =	sld [smem:$0x3FB3];
	_ =	sdelay $0x3  }
0x36: {  	p1 =	seq.s32 s10, $0x1;
	s10 =	sld [smem:$0x3FB4];
	_ =	sdelay $0x3  }
0x37: {  	[smem:$0x3FB4] =	sst s10  }
0x38: {  	s10 =	sld [smem:$0x3FB5]  }
0x39: {  	_ = 	snop;
	(pc) =	sbr.ind lr, $3  }
0x3a: {  	_ = 	snop  }
0x3b: {  	_ = 	snop  }
0x3c: {  	p2 =	seq.s32 s10, $0x1;
	s10 =	sld [smem:$0x3FB4]  }
0x3d: {  	_ =	shalt  }
0x3e: {  	_ =	shalt  }
0x3f: {  	_ =	shalt  }
0x40: {  	_ =	shalt  }
0x41: {  	_ =	shalt  }
0x42: {  	_ =	shalt  }
0x43: {  	_ =	shalt  }
0x44: {  	_ =	shalt  }
0x45: {  	_ =	shalt  }
0x46: {  	_ =	shalt  }
0x47: {  	_ =	shalt  }
0x48: {  	_ =	shalt  }
0x49: {  	_ =	shalt  }
0x4a: {  	_ =	shalt  }
0x4b: {  	_ =	shalt  }
0x4c: {  	_ =	shalt  }
0x4d: {  	_ =	shalt  }
0x4e: {  	_ =	shalt  }
0x4f: {  	_ =	shalt  }
0x50: {  	_ =	shalt  }
0x51: {  	_ =	shalt  }
0x52: {  	_ =	shalt  }
0x53: {  	_ =	shalt  }
0x54: {  	_ =	shalt  }
0x55: {  	_ =	shalt  }
0x56: {  	_ =	shalt  }
0x57: {  	_ =	shalt  }
0x58: {  	_ =	shalt  }
0x59: {  	_ =	shalt  }
0x5a: {  	_ =	shalt  }
0x5b: {  	_ =	shalt  }
0x5c: {  	_ =	shalt  }
0x5d: {  	_ =	shalt  }
0x5e: {  	_ =	shalt  }
0x5f: {  	_ =	shalt  }
0x60: {  	_ =	shalt  }
0x61: {  	_ =	shalt  }
0x62: {  	_ =	shalt  }
0x63: {  	_ =	shalt  }
0x64: {  	_ =	shalt  }
0x65: {  	_ =	shalt  }
0x66: {  	_ =	shalt  }
0x67: {  	_ =	shalt  }
0x68: {  	_ =	shalt  }
0x69: {  	_ =	shalt  }
0x6a: {  	_ =	shalt  }
0x6b: {  	_ =	shalt  }
0x6c: {  	_ =	shalt  }
0x6d: {  	_ =	shalt  }
0x6e: {  	_ =	shalt  }
0x6f: {  	_ =	shalt  }
0x70: {  	_ =	shalt  }
0x71: {  	_ =	shalt  }
0x72: {  	_ =	shalt  }
0x73: {  	_ =	shalt  }
0x74: {  	_ =	shalt  }
0x75: {  	_ =	shalt  }
0x76: {  	_ =	shalt  }
0x77: {  	_ =	shalt  }
0x78: {  	_ =	shalt  }
0x79: {  	_ =	shalt  }
0x7a: {  	_ =	shalt  }
0x7b: {  	_ =	shalt  }
0x7c: {  	_ =	shalt  }
0x7d: {  	_ =	shalt  }
0x7e: {  	_ =	shalt  }
0x7f: {  	_ =	shalt  }
0x80: {  	_ =	shalt  }
0x81: {  	_ =	shalt  }
0x82: {  	_ =	shalt  }
0x83: {  	_ =	shalt  }
0x84: {  	_ =	shalt  }
0x85: {  	_ =	shalt  }
0x86: {  	_ =	shalt  }
0x87: {  	_ =	shalt  }
.Lfunc_end0:
.L_simem_size_0:
called_computation.2_lowered:
.L_overlay_start_0:
0x88: {  	s2 =	sld [smem:$0x3FD9]  }
0x89: {  	s3 =	sld [smem:$0x3FFE];
	_ =	sdelay $0x1  }
0x8a: {  	s1 =	srdreg.scid  }
0x8b: {  	s0 =	sand.u32 $0x1, s1  }
0x8c: {  	s16 =	sshll.u32 s0, $0xA;
	s2 =	sadd.s32 s3, s2  }
0x8d: {  	s2 =	sadd.s32 s2, s16  }
0x8e: {  	[smem:$0x3FC0] =	sst s2  }
0x8f: {  	_ = 	snop  }
0x90: {  	(tm) =	ssettm $0x1  }
0x91: {  	s17 =	sld [smem:$0x3FFB];
	_ =	sdelay $0x3  }
0x92: {  	_ =	strace s17  }
0x93: {  	s2 =	sld [smem:$0x3FFC];
	_ =	sdelay $0x3  }
0x94: {  	_ =	strace s2  }
0x95: {  	s2 =	sld [smem:$0x3FFD];
	_ =	sdelay $0x3  }
0x96: {  	_ =	strace s2  }
0x97: {  	_ =	strace $0x8FFFFFFF  }
0x98: {  	s18 =	sld [smem:$0x3FDB];
	_ =	sdelay $0x1  }
0x99: {  	s19 =	simm.s32 $_scs_section_size  }
0x9a: {  	s4 =	simm.s32 $_size__tile_overlayer_lowered;
	s5 =	simm.s32 $_tile_overlayer_lowered  }
0x9b: {  	s22 =	simm.s32 $0x1BFF;
	s21 =	sshll.u32 s5, $0x1;
	s2 =	sadd.s32 s19, s18  }
0x9c: {  	s6 =	simm.s32 $0x0;
	s20 =	sshll.u32 s4, $0x1;
	s4 =	sadd.s32 s21, s2  }
0x9d: {  	[timem:s6], [sflag:s22] =	dma.local [hbm:s4], s20  }
0x9e: {  	_ =	swait.ge [sflag:s22], s20  }
0x9f: {  	s3 =	ssub.s32 $0x0, s20;
	[sflag:s22] =	ssyncset.done $0x0  }
0xa0: {  	[sflag:s22] =	ssyncadd.s32 s3;
	_ =	sdelay $0x1  }
0xa1: {  	s23 =	simm.s32 $0x1B8B  }
0xa2: {  	_ =	swait.ge [sflag:s23], $0x1  }
0xa3: {  	[sflag:s23] =	ssyncset.done $0x0  }
0xa4: {  	s25 =	simm.s32 $0x1B8E;
	s24 =	sld [smem:$0x3FFE];
	[sflag:s23] =	ssyncadd.s32 $0xFFFFFFFF  }
0xa5: {  	s26 =	simm.s32 $execute0_lowered;
	[smem:$0x3FD2] =	sst s25  }
0xa6: {  	s4 =	sshll.u32 s26, $0x1;
	_ =	strace $0x8000004C;
	[dreg:$0x1] =	wrdreg $0xFFFFFFFF  }
0xa7: {  	s28 =	simm.s32 $_size_execute0_lowered;
	s2 =	sadd.s32 s2, s4;
	[dreg:$0x0] =	wrdreg $0x0  }
0xa8: {  	s4 =	sshll.u32 s28, $0x1;
	[dreg:$0x2] =	wrdreg s2  }
0xa9: {  	[dreg:$0x3] =	wrdreg s4  }
0xaa: {  	[dreg:$0x4] =	wrdreg $0xC0  }
0xab: {  	_ =	task [dreg:s6], $0x5FFFF  }
0xac: {  	[dreg:$0x1] =	wrdreg $0xFFFFFFFF  }
0xad: {  	[dreg:$0x0] =	wrdreg $0x60  }
0xae: {  	[dreg:$0x2] =	wrdreg s24  }
0xaf: {  	[dreg:$0x3] =	wrdreg $0x41000  }
0xb0: {  	[dreg:$0x4] =	wrdreg $0x9  }
0xb1: {  	_ =	task.clear_ibuf [dreg:s6], $0x5FFFF;
	_ =	strace $0x9000004C  }
0xb2: {  	s29 =	simm.s32 $0x9;
	_ =	strace $0x8000004E  }
0xb3: {  	_ =	swait.ge [sflag:s29], $0x1  }
0xb4: {  	[sflag:s29] =	ssyncadd.s32 $0xFFFFFFFF  }
0xb5: {  	_ =	strace $0x9000004E  }
0xb6: {  	_ =	sfence  }
0xb7: {  	s30 =	sld [smem:$0x0];
	_ =	sdelay $0x2  }
0xb8: {  	s31 =	sshll.u32 s1, $0xD;
	s1 =	sshrl.u32 s1, $0x2  }
0xb9: {  	s3 =	sand.u32 $0x4000, s31;
	s1 =	sadd.s32 s1, s30  }
0xba: {  	s0 =	sor.u32 s3, s0;
	s1 =	sshll.u32 s1, $0x11  }
0xbb: {  	s0 =	sor.u32 s1, s0  }
0xbc: {  	s0 =	sadd.s32 $0x8F2B, s0  }
0xbd: {  	[sflag:s0] =	ssyncadd.remote.s32 $0x1  }
0xbe: {  	_ =	sfence.sel $0xFFFF  }
0xbf: {  	[dreg:$0x0] =	wrdreg $0xFFFFFFFF;
	(pc) =	sbr.abs _section_cstart, $3  }
0xc0: {  	[dreg:$0x1] =	wrdreg $0xFFFFFFFF  }
0xc1: {  	_ =	task.clear_ibuf [dreg:s6], $0x2FFFF;
	_ =	strace $0x9FFFFFFF  }
0xc2: {  	(tm) =	ssettm $0x7FFFFFFF  }
0xc3: {  	_ =	shalt  }
tec
execute0_lowered:
.L_overlay_start_1:
0x0: {  	(tag) =	ssettag $0x1  }
0x1: {  	s6 =	rddreg [dreg:$0x0];
	s0 =	srdreg.scid  }
0x2: {  	s1 =	rddreg [dreg:$0x1];
	s2 =	stileid.u32  }
0x3: {  	s3 =	simm.s32 $0x0;
	s14 =	simm.s32 $0x1;
	s9 =	smul.u32 $0x14000, s2  }
0x4: {  	s7 =	sand.u32 $0x1, s0;
	s0 =	rddreg [dreg:$0x2];
	s26 =	smul.u32 $0x50000, s2  }
0x5: {  	s15 =	simm.s32 $0x0;
	[smem:$0x7FF] =	sst s3;
	s11 =	smul.u32 $0x9E0, s2  }
0x6: {  	s4 =	sadd.s32 $0x70200, s6;
	s30 =	sshll.u32 s2, $0x6;
	s5 =	smul.u32 $0x9E00, s7  }
0x7: {  	s8 =	smul.u32 $0x140000, s7;
	_ =	strace $0x8000004D;
	s7 =	ssub.s32 $0x2, s7  }
0x8: {  	s28 =	sshrl.u32 s7, $0x1;
	s29 =	sshrl.u32 s26, $0x2;
	s10 =	sadd.s32 s5, s6  }
0x9: {  	s5 =	sadd.s32 $0x3800, s6;
	s8 =	sadd.s32 s9, s8;
	s12 =	ssub.s32 s7, s28  }
0xa: {  	s13 =	sadd.s32 s29, s1;
	s8 =	sshrl.u32 s8, $0x3;
	s31 =	sadd.s32 s11, s10  }
0xb: {  	s10 =	sshrl.u32 s13, $0x3;
	s11 =	simm.s32 $0x2;
	s13 =	simm.s32 $0x100  }
0xc: {  	s8 =	sadd.s32 s8, s6;
	s6 =	sor.u32 $0x1C02, s30;
	s9 =	sadd.s32 $0xE200, s31  }
0xd: {  	s7 =	sadd.s32 $0x97400, s8;
	s8 =	smax.u32 s12, $0x1;
	s12 =	simm.s32 $0x80  }
.LBB2_1:
0xe: {  	[spmem:s10], [sflag:s6] =	dma.local [hbm:s5], $0x2800  }
0xf: {  	_ =	swait.ge [sflag:s11], $0x2800  }
0x10: {  	[sflag:s11] =	ssyncset.done $0x0  }
0x11: {  	[sflag:s11] =	ssyncadd.s32 $0xFFFFD800  }
0x12: {  	s16 =	sadd.s32 $0x0, s9;
	[bflag:$0x0] =	sbarrier.arrive $0xFFFF  }
0x13: {  	[tilespmem:s3], [sflag:$0x2] =	stream.linear.gather [hbm4b:s16+s3], $0x100, $0x38;
	[tilespmem:$0x18100] =	vst v63  }
0x14: {  	_ =	swait.ge [sflag:s11], $0x100  }
0x15: {  	[sflag:s11] =	ssyncset.done $0x0  }
0x16: {  	[sflag:s11] =	ssyncadd.s32 $0xFFFFFF00  }
0x17: {  	[tilespmem:s13], [sflag:$0x1] =	stream.indirect.gather [hbm4b:s4+s12], $0x80, s3, s12, $0xb8;
	[tilespmem:$0x18100] =	vst v63  }
0x18: {  	_ =	swait.ge [sflag:s14], $0x4000  }
0x19: {  	[sflag:s14] =	ssyncset.done $0x0  }
0x1a: {  	[sflag:s14] =	ssyncadd.s32 $0xFFFFC000  }
0x1b: {  	[spmem:s1] =	stream.indirect.scatter.add.f32 [tilespmem:s13], [sflag:$0x2], $0x80, s12, s12, $0xb8;
	[tilespmem:$0x18100] =	vst v63  }
0x1c: {  	_ =	swait.ge [sflag:s11], $0x4000  }
0x1d: {  	s17 =	simm.s32 $0x40;
	s16 =	simm.s32 $0x20;
	[sflag:s11] =	ssyncset.done $0x0  }
.LBB2_2:
0x1e: {  	s18 =	sadd.s32 s16, s9  }
0x1f: {  	[sflag:s11] =	ssyncadd.s32 $0xFFFFC000;
	s16 =	smov.u32 s17;
	s19 =	sadd.s32 $0x20, s17  }
0x20: {  	[tilespmem:s3], [sflag:$0x2] =	stream.linear.gather [hbm4b:s18+s3], $0x100, $0x38;
	[tilespmem:$0x18100] =	vst v63  }
0x21: {  	p0 =	sne.s32 s17, $0x9C0;
	_ =	swait.ge [sflag:s11], $0x100  }
0x22: {  	[sflag:s11] =	ssyncset.done $0x0  }
0x23: {  	[sflag:s11] =	ssyncadd.s32 $0xFFFFFF00  }
0x24: {  	[tilespmem:s13], [sflag:$0x1] =	stream.indirect.gather [hbm4b:s4+s12], $0x80, s3, s12, $0xb8;
	[tilespmem:$0x18100] =	vst v63  }
0x25: {  	_ =	swait.ge [sflag:s14], $0x4000  }
.Ltmp0:
0x26: {  	[sflag:s14] =	ssyncset.done $0x0;
	(pc) =	sbr.rel @p0 .LBB2_2-.Ltmp0, $4  }
0x27: {  	[sflag:s14] =	ssyncadd.s32 $0xFFFFC000  }
0x28: {  	[spmem:s1] =	stream.indirect.scatter.add.f32 [tilespmem:s13], [sflag:$0x2], $0x80, s12, s12, $0xb8;
	[tilespmem:$0x18100] =	vst v63  }
0x29: {  	_ =	swait.ge [sflag:s11], $0x4000  }
0x2a: {  	s17 =	smov.u32 s19;
	[sflag:s11] =	ssyncset.done $0x0  }
0x2b: {  	s16 =	sadd.s32 s16, s9;
	[sflag:s11] =	ssyncadd.s32 $0xFFFFC000  }
0x2c: {  	[tilespmem:s3], [sflag:$0x2] =	stream.linear.gather [hbm4b:s16+s3], $0x100, $0x38;
	[tilespmem:$0x18100] =	vst v63  }
0x2d: {  	_ =	swait.ge [sflag:s11], $0x100  }
0x2e: {  	[sflag:s11] =	ssyncset.done $0x0  }
0x2f: {  	[sflag:s11] =	ssyncadd.s32 $0xFFFFFF00  }
0x30: {  	[tilespmem:s13], [sflag:$0x1] =	stream.indirect.gather [hbm4b:s4+s12], $0x80, s3, s12, $0xb8;
	[tilespmem:$0x18100] =	vst v63  }
0x31: {  	_ =	swait.ge [sflag:s14], $0x4000  }
0x32: {  	[sflag:s14] =	ssyncset.done $0x0  }
0x33: {  	[sflag:s14] =	ssyncadd.s32 $0xFFFFC000  }
0x34: {  	[spmem:s1] =	stream.indirect.scatter.add.f32 [tilespmem:s13], [sflag:$0x2], $0x80, s12, s12, $0xb8;
	[tilespmem:$0x18100] =	vst v63  }
0x35: {  	_ =	swait.ge [sflag:s11], $0x4000  }
0x36: {  	s15 =	sadd.s32 $0x1, s15;
	[sflag:s11] =	ssyncset.done $0x0  }
0x37: {  	p0 =	sne.s32 s15, s8;
	[sflag:s11] =	ssyncadd.s32 $0xFFFFC000  }
.Ltmp1:
0x38: {  	[bflag:$0x0] =	sbarrier.arrive $0xFFFF;
	(pc) =	sbr.rel @p0 .LBB2_1-.Ltmp1, $4  }
0x39: {  	[hbm:s7], [sflag:s6] =	dma.local [spmem:s10], $0x2800  }
0x3a: {  	_ =	swait.ge [sflag:s11], $0x2800  }
0x3b: {  	[sflag:s11] =	ssyncset.done $0x0  }
0x3c: {  	[sflag:s11] =	ssyncadd.s32 $0xFFFFD800  }
0x3d: {  	_ =	sfence.sel $0x180000  }
0x3e: {  	[bflag:$0x0] =	sbarrier.arrive $0xFFFF  }
0x3f: {  	p0 =	sne.s32 s2, $0x0;
	_ =	strace $0x9000004D  }
0x40: {  	s0 =	sadd.s32 @!p0 $0x100000, s0;
	[bflag:$0x2] =	sbarrier.arrive $0xFFFF  }
0x41: {  	[sflag:s0] =	ssyncadd.tile.s32 @!p0 $0x1;
	_ =	shalt  }
.Lfunc_end2:
_tile_overlayer_lowered:
.L_overlay_start_2:
0x42: {  	(tag) =	ssettag $0x2  }
0x43: {  	s0 =	rddreg [dreg:$0x0];
	s2 =	stileid.u32  }
0x44: {  	s1 =	rddreg [dreg:$0x1];
	p0 =	sne.s32 s2, $0x0  }
0x45: {  	s3 =	rddreg [dreg:$0x2];
	[bflag:$0x3] =	sbarrier.arrive $0xFFFF;
	s2 =	simm.s32 @!p0 $0x1C02  }
0x46: {  	[timem:s3], [sflag:s2] =	dma.local @!p0 [hbm:s0], s1  }
0x47: {  	s0 =	simm.s32 @!p0 $0x2  }
0x48: {  	_ =	swait.ge @!p0 [sflag:s0], s1  }
0x49: {  	s1 =	ssub.s32 @!p0 $0x0, s1;
	[sflag:s0] =	ssyncset.done @!p0 $0x0  }
0x4a: {  	[sflag:s0] =	ssyncadd.s32 @!p0 s1  }
0x4b: {  	[bflag:$0x3] =	sbarrier.arrive $0xFFFF  }
0x4c: {  	_ =	shalt  }

// kernel: kernel.8.cloned.1.call-start
scs
__scs_entry_jumppad:
0x0: {  	(pc) =	sbr.rel $0x88, $3  }
0x1: {  	(tag) =	ssettag $0x0;
	lr =	simm.s32 $0x1  }
0x2: {  	[smem:$0x3F99] =	sst lr;
	_ =	strace $0xD0000000  }
0x3: {  	_ = 	snop  }
0x4: {  	_ = 	snop  }
0x5: {  	_ = 	snop  }
0x6: {  	_ = 	snop  }
0x7: {  	_ = 	snop  }
__scs_overlays_trampoline_lowered:
0x8: {  	[smem:$0x3FA8] =	sst s0  }
0x9: {  	[smem:$0x3FA9] =	sst s1  }
0xa: {  	[smem:$0x3FAA] =	sst s2  }
0xb: {  	[smem:$0x3FAB] =	sst s3  }
0xc: {  	[smem:$0x3FAC] =	sst s4  }
0xd: {  	[smem:$0x3FAD] =	sst s5  }
0xe: {  	[smem:$0x3FAE] =	sst s6  }
0xf: {  	[smem:$0x3FAF] =	sst s7  }
0x10: {  	[smem:$0x3FB0] =	sst s8  }
0x11: {  	[smem:$0x3FB1] =	sst s9;
	s0 =	simm.s32 @!p0 $0x0  }
0x12: {  	s1 =	sld [smem:$0x3F97];
	s0 =	simm.s32 @p0 $0x1  }
0x13: {  	[smem:$0x3FB2] =	sst s0;
	s0 =	simm.s32 @!p1 $0x0  }
0x14: {  	s2 =	sld [smem:$0x3F96];
	s0 =	simm.s32 @p1 $0x1  }
0x15: {  	[smem:$0x3FB3] =	sst s0;
	s0 =	simm.s32 @!p2 $0x0  }
0x16: {  	s3 =	sld [smem:$0x3FDB];
	s0 =	simm.s32 @p2 $0x1  }
0x17: {  	s4 =	simm.s32 $0x1BF5;
	[smem:$0x3FB5] =	sst s0  }
0x18: {  	s0 =	sld [smem:$0x3F98];
	_ =	swait.ge [sflag:s4], $0x0  }
0x19: {  	s7 =	sld [smem:$0x3F99]  }
0x1a: {  	s8 =	sadd.s32 $0xFFFFE003, lr  }
0x1b: {  	s9 =	sadd.s32 $0xFFFFFEF7, lr;
	s5 =	simm.s32 $0xFFFFFFFF;
	p2 =	slt.u32 s8, $0xFFFFF086  }
0x1c: {  	p1 =	slt.u32 s9, $0xF7A;
	s5 =	simm.s32 @!p2 $0x0  }
0x1d: {  	s5 =	simm.s32 @p1 $0x1;
	p0 =	seq.s32 s7, s2  }
0x1e: {  	s7 =	smul.u32 @!p0 $0xF7A, s2;
	p2 =	seq.s32 @!p0 s5, $0x0  }
0x1f: {  	s9 =	smul.u32 $0xF7A, s1;
	s8 =	simm.s32 @!p0 $0x1BF5;
	p2 =	por !p2, p0  }
0x20: {  	[sflag:s8] =	ssyncset.s32 @!p0 $0xFFFFF086;
	s6 =	sadd.s32 @!p0 s3, s7;
	s7 =	simm.s32 @!p0 $0x108  }
0x21: {  	s3 =	sadd.s32 s3, s9;
	s6 =	sadd.s32 @!p0 $0x88, s6;
	s7 =	simm.s32 @p2 $0x1082  }
0x22: {  	[simem:s7], [sflag:s8] =	dma.local @!p0 [hbm:s6], $0xF7A  }
0x23: {  	s9 =	sor.u32 $0xD0000000, s2;
	s6 =	simm.s32 $0x108;
	_ =	swait.ge @!p0 [sflag:s8], $0x0  }
0x24: {  	s3 =	sadd.s32 $0x88, s3;
	s6 =	simm.s32 @!p1 $0x1082;
	[sflag:s4] =	ssyncset.s32 $0xFFFFF086  }
0x25: {  	[simem:s6], [sflag:s4] =	dma.local [hbm:s3], $0xF7A  }
0x26: {  	[smem:$0x3F99] =	sst s1;
	(tag) =	ssettag s2;
	_ =	strace s9  }
0x27: {  	s1 =	sld [smem:$0x3FA9]  }
0x28: {  	s2 =	sld [smem:$0x3FAA]  }
0x29: {  	s4 =	sld [smem:$0x3FAC]  }
0x2a: {  	p0 =	seq.s32 s5, $0x0;
	s5 =	sld [smem:$0x3FAD]  }
0x2b: {  	s6 =	sld [smem:$0x3FAE]  }
0x2c: {  	s7 =	sld [smem:$0x3FAF]  }
0x2d: {  	s3 =	simm.s32 $0x108;
	s8 =	sld [smem:$0x3FB0]  }
0x2e: {  	s3 =	simm.s32 @!p0 $0x1082;
	s9 =	sld [smem:$0x3FB1]  }
0x2f: {  	lr =	sadd.s32 s0, s3;
	s0 =	sld [smem:$0x3FA8]  }
0x30: {  	s3 =	sld [smem:$0x3FAB]  }
0x31: {  	[smem:$0x3FB4] =	sst s10  }
0x32: {  	s10 =	sld [smem:$0x3FB2];
	_ =	sdelay $0x3  }
0x33: {  	p0 =	seq.s32 s10, $0x1;
	s10 =	sld [smem:$0x3FB4];
	_ =	sdelay $0x3  }
0x34: {  	[smem:$0x3FB4] =	sst s10  }
0x35: {  	s10 =	sld [smem:$0x3FB3];
	_ =	sdelay $0x3  }
0x36: {  	p1 =	seq.s32 s10, $0x1;
	s10 =	sld [smem:$0x3FB4];
	_ =	sdelay $0x3  }
0x37: {  	[smem:$0x3FB4] =	sst s10  }
0x38: {  	s10 =	sld [smem:$0x3FB5]  }
0x39: {  	_ = 	snop;
	(pc) =	sbr.ind lr, $3  }
0x3a: {  	_ = 	snop  }
0x3b: {  	_ = 	snop  }
0x3c: {  	p2 =	seq.s32 s10, $0x1;
	s10 =	sld [smem:$0x3FB4]  }
0x3d: {  	_ =	shalt  }
0x3e: {  	_ =	shalt  }
0x3f: {  	_ =	shalt  }
0x40: {  	_ =	shalt  }
0x41: {  	_ =	shalt  }
0x42: {  	_ =	shalt  }
0x43: {  	_ =	shalt  }
0x44: {  	_ =	shalt  }
0x45: {  	_ =	shalt  }
0x46: {  	_ =	shalt  }
0x47: {  	_ =	shalt  }
0x48: {  	_ =	shalt  }
0x49: {  	_ =	shalt  }
0x4a: {  	_ =	shalt  }
0x4b: {  	_ =	shalt  }
0x4c: {  	_ =	shalt  }
0x4d: {  	_ =	shalt  }
0x4e: {  	_ =	shalt  }
0x4f: {  	_ =	shalt  }
0x50: {  	_ =	shalt  }
0x51: {  	_ =	shalt  }
0x52: {  	_ =	shalt  }
0x53: {  	_ =	shalt  }
0x54: {  	_ =	shalt  }
0x55: {  	_ =	shalt  }
0x56: {  	_ =	shalt  }
0x57: {  	_ =	shalt  }
0x58: {  	_ =	shalt  }
0x59: {  	_ =	shalt  }
0x5a: {  	_ =	shalt  }
0x5b: {  	_ =	shalt  }
0x5c: {  	_ =	shalt  }
0x5d: {  	_ =	shalt  }
0x5e: {  	_ =	shalt  }
0x5f: {  	_ =	shalt  }
0x60: {  	_ =	shalt  }
0x61: {  	_ =	shalt  }
0x62: {  	_ =	shalt  }
0x63: {  	_ =	shalt  }
0x64: {  	_ =	shalt  }
0x65: {  	_ =	shalt  }
0x66: {  	_ =	shalt  }
0x67: {  	_ =	shalt  }
0x68: {  	_ =	shalt  }
0x69: {  	_ =	shalt  }
0x6a: {  	_ =	shalt  }
0x6b: {  	_ =	shalt  }
0x6c: {  	_ =	shalt  }
0x6d: {  	_ =	shalt  }
0x6e: {  	_ =	shalt  }
0x6f: {  	_ =	shalt  }
0x70: {  	_ =	shalt  }
0x71: {  	_ =	shalt  }
0x72: {  	_ =	shalt  }
0x73: {  	_ =	shalt  }
0x74: {  	_ =	shalt  }
0x75: {  	_ =	shalt  }
0x76: {  	_ =	shalt  }
0x77: {  	_ =	shalt  }
0x78: {  	_ =	shalt  }
0x79: {  	_ =	shalt  }
0x7a: {  	_ =	shalt  }
0x7b: {  	_ =	shalt  }
0x7c: {  	_ =	shalt  }
0x7d: {  	_ =	shalt  }
0x7e: {  	_ =	shalt  }
0x7f: {  	_ =	shalt  }
0x80: {  	_ =	shalt  }
0x81: {  	_ =	shalt  }
0x82: {  	_ =	shalt  }
0x83: {  	_ =	shalt  }
0x84: {  	_ =	shalt  }
0x85: {  	_ =	shalt  }
0x86: {  	_ =	shalt  }
0x87: {  	_ =	shalt  }
.Lfunc_end0:
.L_simem_size_0:
called_computation_lowered:
.L_overlay_start_0:
0x88: {  	s2 =	sld [smem:$0x3FD9]  }
0x89: {  	s3 =	sld [smem:$0x3FFE];
	_ =	sdelay $0x1  }
0x8a: {  	s1 =	srdreg.scid  }
0x8b: {  	s0 =	sand.u32 $0x1, s1  }
0x8c: {  	s17 =	sshll.u32 s0, $0xA;
	s2 =	sadd.s32 s3, s2  }
0x8d: {  	s2 =	sadd.s32 s2, s17  }
0x8e: {  	[smem:$0x3FC0] =	sst s2  }
0x8f: {  	_ = 	snop  }
0x90: {  	s2 =	sld [smem:$0x3FD0];
	(tm) =	ssettm $0x1  }
0x91: {  	s18 =	sld [smem:$0x3FFB];
	_ =	sdelay $0x3  }
0x92: {  	_ =	strace s18  }
0x93: {  	s3 =	sld [smem:$0x3FFC];
	_ =	sdelay $0x3  }
0x94: {  	_ =	strace s3  }
0x95: {  	s3 =	sld [smem:$0x3FFD];
	_ =	sdelay $0x3  }
0x96: {  	_ =	strace s3  }
0x97: {  	_ =	strace $0x8FFFFFFF  }
0x98: {  	s19 =	sld [smem:$0x3FDB];
	_ =	sdelay $0x1  }
0x99: {  	s4 =	simm.s32 $_scs_section_size  }
0x9a: {  	s5 =	simm.s32 $_size__tile_overlayer_lowered;
	s6 =	simm.s32 $_tile_overlayer_lowered  }
0x9b: {  	s22 =	simm.s32 $0x1BFF;
	s21 =	sshll.u32 s6, $0x1;
	s3 =	sadd.s32 s4, s19  }
0x9c: {  	s7 =	simm.s32 $0x0;
	s20 =	sshll.u32 s5, $0x1;
	s5 =	sadd.s32 s21, s3  }
0x9d: {  	[timem:s7], [sflag:s22] =	dma.local [hbm:s5], s20  }
0x9e: {  	_ =	swait.ge [sflag:s22], s20  }
0x9f: {  	s4 =	ssub.s32 $0x0, s20;
	[sflag:s22] =	ssyncset.done $0x0  }
0xa0: {  	[sflag:s22] =	ssyncadd.s32 s4;
	_ =	sdelay $0x1  }
0xa1: {  	s23 =	simm.s32 $0x1B8B  }
0xa2: {  	_ =	swait.ge [sflag:s23], $0x1  }
0xa3: {  	[sflag:s23] =	ssyncset.done $0x0  }
0xa4: {  	s25 =	simm.s32 $0x1B8E;
	s24 =	sld [smem:$0x3FFE];
	[sflag:s23] =	ssyncadd.s32 $0xFFFFFFFF  }
0xa5: {  	s26 =	simm.s32 $execute0_lowered;
	[smem:$0x3FD2] =	sst s25  }
0xa6: {  	s5 =	sshll.u32 s26, $0x1;
	_ =	strace $0x80000046;
	[dreg:$0x1] =	wrdreg $0xFFFFFFFF  }
0xa7: {  	s28 =	simm.s32 $_size_execute0_lowered;
	s3 =	sadd.s32 s3, s5;
	[dreg:$0x0] =	wrdreg $0x0  }
0xa8: {  	s5 =	sshll.u32 s28, $0x1;
	[dreg:$0x2] =	wrdreg s3  }
0xa9: {  	[dreg:$0x3] =	wrdreg s5  }
0xaa: {  	[dreg:$0x4] =	wrdreg $0xC0  }
0xab: {  	_ =	task [dreg:s7], $0x5FFFF  }
0xac: {  	[dreg:$0x1] =	wrdreg $0xFFFFFFFF  }
0xad: {  	[dreg:$0x0] =	wrdreg $0x60  }
0xae: {  	[dreg:$0x2] =	wrdreg s24  }
0xaf: {  	[dreg:$0x3] =	wrdreg s2  }
0xb0: {  	[dreg:$0x4] =	wrdreg $0x1000  }
0xb1: {  	[dreg:$0x5] =	wrdreg $0x9  }
0xb2: {  	_ =	task.clear_ibuf [dreg:s7], $0x6FFFF;
	_ =	strace $0x90000046  }
0xb3: {  	s29 =	simm.s32 $0x9;
	_ =	strace $0x80000048  }
0xb4: {  	_ =	swait.ge [sflag:s29], $0x1  }
0xb5: {  	[sflag:s29] =	ssyncadd.s32 $0xFFFFFFFF  }
0xb6: {  	_ =	strace $0x90000048  }
0xb7: {  	_ =	sfence  }
0xb8: {  	s30 =	sld [smem:$0x0];
	_ =	sdelay $0x2  }
0xb9: {  	s31 =	sshll.u32 s1, $0xD;
	s1 =	sshrl.u32 s1, $0x2  }
0xba: {  	s3 =	sand.u32 $0x4000, s31;
	s1 =	sadd.s32 s1, s30  }
0xbb: {  	s0 =	sor.u32 s3, s0;
	s1 =	sshll.u32 s1, $0x11  }
0xbc: {  	s0 =	sor.u32 s1, s0  }
0xbd: {  	s0 =	sadd.s32 $0x8F2B, s0  }
0xbe: {  	[sflag:s0] =	ssyncadd.remote.s32 $0x1  }
0xbf: {  	_ =	sfence.sel $0xFFFF  }
0xc0: {  	[dreg:$0x0] =	wrdreg $0xFFFFFFFF;
	(pc) =	sbr.abs _section_cstart, $3  }
0xc1: {  	[dreg:$0x1] =	wrdreg $0xFFFFFFFF  }
0xc2: {  	_ =	task.clear_ibuf [dreg:s7], $0x2FFFF;
	_ =	strace $0x9FFFFFFF  }
0xc3: {  	(tm) =	ssettm $0x7FFFFFFF  }
tec
execute0_lowered:
.L_overlay_start_1:
0x0: {  	(tag) =	ssettag $0x1  }
0x1: {  	s6 =	rddreg [dreg:$0x0]  }
0x2: {  	s1 =	rddreg [dreg:$0x1]  }
0x3: {  	s2 =	rddreg [dreg:$0x2];
	s3 =	srdreg.scid  }
0x4: {  	s0 =	rddreg [dreg:$0x3];
	s4 =	simm.s32 $0x0;
	s7 =	sand.u32 $0x1, s3  }
0x5: {  	s14 =	simm.s32 $0x10;
	s3 =	stileid.u32;
	s5 =	smul.u32 $0x4F00, s7  }
0x6: {  	s15 =	simm.s32 $0x0;
	[smem:$0x7FF] =	sst s4;
	s8 =	smul.u32 $0x500, s3  }
0x7: {  	_ =	strace $0x80000047;
	s9 =	sshll.u32 s7, $0x7;
	s26 =	smul.u32 $0xA00, s3  }
0x8: {  	s7 =	ssub.s32 $0x2, s7;
	s11 =	smul.u32 $0x4F0, s3;
	s30 =	sshll.u32 s3, $0x6  }
0x9: {  	s28 =	sshrl.u32 s7, $0x1;
	s10 =	sadd.s32 s5, s6;
	s5 =	sadd.s32 $0xD600, s6  }
0xa: {  	s8 =	sor.u32 s9, s8;
	s12 =	ssub.s32 s7, s28;
	s29 =	sshrl.u32 s26, $0x2  }
0xb: {  	s8 =	sshrl.u32 s8, $0x3;
	s13 =	sadd.s32 s29, s2;
	s31 =	sadd.s32 s11, s10  }
0xc: {  	s11 =	simm.s32 $0x1;
	s8 =	sadd.s32 s8, s6;
	s6 =	sor.u32 $0x1C01, s30  }
0xd: {  	s9 =	sadd.s32 $0x3800, s31;
	s10 =	sshrl.u32 s13, $0x3;
	s13 =	simm.s32 $0x20  }
0xe: {  	s7 =	sadd.s32 $0xD800, s8;
	s8 =	smax.u32 s12, $0x1;
	s12 =	simm.s32 $0x80  }
.LBB2_1:
0xf: {  	[spmem:s10], [sflag:s6] =	dma.local [hbm:s1], $0x50  }
0x10: {  	_ =	swait.ge [sflag:s11], $0x50  }
0x11: {  	[sflag:s11] =	ssyncset.done $0x0  }
0x12: {  	[sflag:s11] =	ssyncadd.s32 $0xFFFFFFB0  }
0x13: {  	[tilespmem:s12], [sflag:$0x1] =	stream.linear.gather [hbm4b:s5+s4], $0x80, $0x38;
	[tilespmem:$0x380] =	vst v63  }
0x14: {  	_ =	swait.ge [sflag:s11], $0x80  }
0x15: {  	[sflag:s11] =	ssyncset.done $0x0  }
0x16: {  	[sflag:s11] =	ssyncadd.s32 $0xFFFFFF80  }
0x17: {  	s16 =	sadd.s32 $0x0, s9;
	[bflag:$0x0] =	sbarrier.arrive $0xFFFF  }
0x18: {  	[tilespmem:s4], [sflag:$0x1] =	stream.linear.gather [hbm4b:s16+s4], $0x80, $0x38;
	[tilespmem:$0x380] =	vst v63  }
0x19: {  	_ =	swait.ge [sflag:s11], $0x80  }
0x1a: {  	[sflag:s11] =	ssyncset.done $0x0  }
0x1b: {  	[sflag:s11] =	ssyncadd.s32 $0xFFFFFF80  }
0x1c: {  	[spmem:s2] =	stream.indirect.scatter.add.f32 [tilespmem:s12], [sflag:$0x1], $0x1, s4, s12, $0xb8;
	[tilespmem:$0x380] =	vst v63  }
0x1d: {  	_ =	swait.ge [sflag:s11], $0x80  }
0x1e: {  	s17 =	simm.s32 $0x20;
	s16 =	simm.s32 $0x10;
	[sflag:s11] =	ssyncset.done $0x0  }
.LBB2_2:
0x1f: {  	s18 =	sadd.s32 s16, s9  }
0x20: {  	[sflag:s11] =	ssyncadd.s32 $0xFFFFFF80;
	s16 =	smov.u32 s17;
	s19 =	sadd.s32 $0x10, s17  }
0x21: {  	[tilespmem:s4], [sflag:$0x1] =	stream.linear.gather [hbm4b:s18+s4], $0x80, $0x38;
	[tilespmem:$0x380] =	vst v63  }
0x22: {  	p0 =	sne.s32 s17, $0x4E0;
	_ =	swait.ge [sflag:s11], $0x80  }
.Ltmp0:
0x23: {  	[sflag:s11] =	ssyncset.done $0x0;
	(pc) =	sbr.rel @p0 .LBB2_2-.Ltmp0, $4  }
0x24: {  	[sflag:s11] =	ssyncadd.s32 $0xFFFFFF80  }
0x25: {  	[spmem:s2] =	stream.indirect.scatter.add.f32 [tilespmem:s12], [sflag:$0x1], $0x1, s4, s12, $0xb8;
	[tilespmem:$0x380] =	vst v63  }
0x26: {  	_ =	swait.ge [sflag:s11], $0x80  }
0x27: {  	s17 =	smov.u32 s19;
	[sflag:s11] =	ssyncset.done $0x0  }
0x28: {  	s16 =	sadd.s32 s16, s9;
	[sflag:s11] =	ssyncadd.s32 $0xFFFFFF80  }
0x29: {  	[tilespmem:s4], [sflag:$0x1] =	stream.linear.gather [hbm4b:s16+s4], $0x80, $0x38;
	[tilespmem:$0x380] =	vst v63  }
0x2a: {  	_ =	swait.ge [sflag:s11], $0x80  }
0x2b: {  	[sflag:s11] =	ssyncset.done $0x0  }
0x2c: {  	[sflag:s11] =	ssyncadd.s32 $0xFFFFFF80  }
0x2d: {  	[spmem:s2] =	stream.indirect.scatter.add.f32 [tilespmem:s12], [sflag:$0x1], $0x1, s4, s12, $0xb8;
	[tilespmem:$0x380] =	vst v63  }
0x2e: {  	_ =	swait.ge [sflag:s11], $0x80  }
0x2f: {  	s15 =	sadd.s32 $0x1, s15;
	[sflag:s11] =	ssyncset.done $0x0  }
0x30: {  	p0 =	sne.s32 s15, s8;
	[sflag:s11] =	ssyncadd.s32 $0xFFFFFF80  }
.Ltmp1:
0x31: {  	[bflag:$0x0] =	sbarrier.arrive $0xFFFF;
	(pc) =	sbr.rel @p0 .LBB2_1-.Ltmp1, $4  }
0x32: {  	[hbm:s7@s13], [sflag:s6] =	dma.strided [spmem:s10@s14], $0x50, s11, $0x10   }
0x33: {  	_ =	swait.ge [sflag:s11], $0x50  }
0x34: {  	[sflag:s11] =	ssyncset.done $0x0  }
0x35: {  	[sflag:s11] =	ssyncadd.s32 $0xFFFFFFB0  }
0x36: {  	_ =	sfence.sel $0x180000  }
0x37: {  	[bflag:$0x0] =	sbarrier.arrive $0xFFFF  }
0x38: {  	p0 =	sne.s32 s3, $0x0;
	_ =	strace $0x90000047  }
0x39: {  	s0 =	sadd.s32 @!p0 $0x100000, s0;
	[bflag:$0x2] =	sbarrier.arrive $0xFFFF  }
0x3a: {  	[sflag:s0] =	ssyncadd.tile.s32 @!p0 $0x1;
	_ =	shalt  }
.Lfunc_end2:
_tile_overlayer_lowered:
.L_overlay_start_2:
0x3b: {  	(tag) =	ssettag $0x2  }
0x3c: {  	s0 =	rddreg [dreg:$0x0];
	s2 =	stileid.u32  }
0x3d: {  	s1 =	rddreg [dreg:$0x1];
	p0 =	sne.s32 s2, $0x0  }
0x3e: {  	s3 =	rddreg [dreg:$0x2];
	[bflag:$0x3] =	sbarrier.arrive $0xFFFF;
	s2 =	simm.s32 @!p0 $0x1C01  }
0x3f: {  	[timem:s3], [sflag:s2] =	dma.local @!p0 [hbm:s0], s1  }
0x40: {  	s0 =	simm.s32 @!p0 $0x1  }
0x41: {  	_ =	swait.ge @!p0 [sflag:s0], s1  }
0x42: {  	s1 =	ssub.s32 @!p0 $0x0, s1;
	[sflag:s0] =	ssyncset.done @!p0 $0x0  }
0x43: {  	[sflag:s0] =	ssyncadd.s32 @!p0 s1  }
0x44: {  	[bflag:$0x3] =	sbarrier.arrive $0xFFFF  }
0x45: {  	_ =	shalt  }

</sc_bundles>
